<compile_context>
chip_gen: v7x
topology: tpu7x:2x2x1
jax: 0.10.2.dev20260603
libtpu: 0.0.44.dev20260713+nightly
codegen_flags: <defaults>
</compile_context>

<pallas_src>
import functools

import jax
import jax.numpy as jnp
from jax import lax
from jax.experimental import pallas as pl
from jax.experimental.pallas import tpu as pltpu
from jax.experimental.pallas import tpu_sc as plsc

N = 10000
D = 256
H = 128
E = 160000
NC, NS, L = 2, 16, 16
NW = NC * NS
K = 125
NROW = E // K
NCHUNK = E // (NW * K)
AC = E // (NS * K)
HB = AC // 2
NNP = 10240
RPT = NNP // NS
RB = 128
DEG_PAD = 10016
BN = 1280
GRID = NNP // BN

@functools.cache
def _sc_mesh():
    return plsc.VectorSubcoreMesh(
        core_axis_name="c", subcore_axis_name="s", num_cores=NC, num_subcores=NS
    )


def _deg_body(dst_hbm, out_hbm, dst_v, ones_v, zeros_v, shared):
    c = lax.axis_index("c")
    s = lax.axis_index("s")
    wid = s * NC + c
    pltpu.sync_copy(dst_hbm.at[pl.ds(wid * NCHUNK, NCHUNK)], dst_v)

    one16 = jnp.ones((L,), jnp.float32)

    def fbody(i, carry):
        ones_v[pl.ds(i * L, L)] = one16
        return carry

    lax.fori_loop(0, 8, fbody, 0)

    @pl.when(s == 0)
    def _():
        zero16 = jnp.zeros((L,), jnp.float32)

        def zbody(i, carry):
            zeros_v[pl.ds(i * L, L)] = zero16
            return carry

        lax.fori_loop(0, DEG_PAD // L, zbody, 0)
        pltpu.sync_copy(zeros_v, shared)

    plsc.subcore_barrier()

    def ebody(j, carry):
        pltpu.sync_copy(ones_v.at[pl.ds(0, K)], shared.at[dst_v.at[j]], add=True)
        return carry

    lax.fori_loop(0, NCHUNK, ebody, 0)

    plsc.subcore_barrier()

    @pl.when(s == 0)
    def _():
        pltpu.sync_copy(shared, zeros_v)
        pltpu.sync_copy(zeros_v.at[pl.ds(0, N)], out_hbm.at[pl.ds(c * N, N)])


@functools.cache
def _deg_kernel():
    return pl.kernel(
        _deg_body,
        out_type=jax.ShapeDtypeStruct((2 * N,), jnp.float32),
        mesh=_sc_mesh(),
        scratch_types=[
            pltpu.VMEM((NCHUNK, K), jnp.int32),
            pltpu.VMEM((RB,), jnp.float32),
            pltpu.VMEM((DEG_PAD,), jnp.float32),
            pltpu.VMEM_SHARED((DEG_PAD,), jnp.float32),
        ],
    )


def _agg_body(src_hbm, dst_hbm, y_hbm, o_hbm, src_v, dst_v, rows0, rows1,
              acc, sem0, sem1):
    c = lax.axis_index("c")
    s = lax.axis_index("s")
    base = c * NNP

    def ibody(j, carry):
        off = s * RPT + j * RB
        pltpu.sync_copy(y_hbm.at[pl.ds(base + off, RB)], rows0)
        pltpu.sync_copy(rows0, acc.at[pl.ds(off, RB)])
        return carry

    lax.fori_loop(0, RPT // RB, ibody, 0)

    plsc.subcore_barrier()

    def batch(b, carry):
        pltpu.sync_copy(
            src_hbm.at[pl.ds(c * NROW + s * AC + b * HB, HB)], src_v)
        pltpu.sync_copy(dst_hbm.at[pl.ds(s * AC + b * HB, HB)], dst_v)
        r0 = rows0.at[pl.ds(0, K)]
        r1 = rows1.at[pl.ds(0, K)]
        pltpu.async_copy(y_hbm.at[src_v.at[0]], r0, sem0)

        def ebody(t, carry2):
            j0 = 2 * t
            j1 = j0 + 1
            d1 = pltpu.async_copy(y_hbm.at[src_v.at[j1]], r1, sem1)
            pltpu.make_async_copy(y_hbm.at[src_v.at[j0]], r0, sem0).wait()
            pltpu.sync_copy(r0, acc.at[dst_v.at[j0]], add=True)

            @pl.when(j0 + 2 < HB)
            def _():
                pltpu.async_copy(y_hbm.at[src_v.at[j0 + 2]], r0, sem0)

            d1.wait()
            pltpu.sync_copy(r1, acc.at[dst_v.at[j1]], add=True)
            return carry2

        lax.fori_loop(0, HB // 2, ebody, 0)
        return carry

    lax.fori_loop(0, 2, batch, 0)

    plsc.subcore_barrier()

    def obody(j, carry):
        off = s * RPT + j * RB
        pltpu.sync_copy(acc.at[pl.ds(off, RB)], rows0)
        pltpu.sync_copy(rows0, o_hbm.at[pl.ds(base + off, RB)])
        return carry

    lax.fori_loop(0, RPT // RB, obody, 0)


@functools.cache
def _agg_kernel():
    return pl.kernel(
        _agg_body,
        out_type=jax.ShapeDtypeStruct((2 * NNP, H), jnp.float32),
        mesh=_sc_mesh(),
        scratch_types=[
            pltpu.VMEM((HB, K), jnp.int32),
            pltpu.VMEM((HB, K), jnp.int32),
            pltpu.VMEM((RB, H), jnp.float32),
            pltpu.VMEM((RB, H), jnp.float32),
            pltpu.VMEM_SHARED((NNP, H), jnp.float32),
            pltpu.SemaphoreType.DMA,
            pltpu.SemaphoreType.DMA,
        ],
    )


def _dinv_of(degp_ref):
    deg = jnp.sum(degp_ref[...], axis=1) + 1.0
    return lax.rsqrt(deg)


def _tc_in_body(x_ref, w1_ref, degp_ref, y0_ref, y1_ref):
    dinv = _dinv_of(degp_ref)
    xw = jnp.dot(x_ref[...], w1_ref[...], preferred_element_type=jnp.float32)
    y = xw * dinv[:, None]
    y0_ref[...] = y[:, :H]
    y1_ref[...] = y[:, H:]


def _tc_mid_body(a0_ref, a1_ref, degp_ref, b1_ref, w2_ref,
                 h1_ref, y0_ref, y1_ref):
    dinv = _dinv_of(degp_ref)
    agg = jnp.concatenate([a0_ref[...], a1_ref[...]], axis=1)
    h1 = jnp.maximum(agg * dinv[:, None] + b1_ref[0, :], 0.0)
    h1_ref[...] = h1
    y2 = jnp.dot(h1, w2_ref[...], preferred_element_type=jnp.float32)
    y2 = y2 * dinv[:, None]
    y0_ref[...] = y2[:, :H]
    y1_ref[...] = y2[:, H:]


def _tc_out_body(a0_ref, a1_ref, degp_ref, b2_ref, h1_ref, wr_ref, br_ref,
                 out_ref):
    dinv = _dinv_of(degp_ref)
    agg = jnp.concatenate([a0_ref[...], a1_ref[...]], axis=1)
    h2 = jnp.maximum(agg * dinv[:, None] + b2_ref[0, :], 0.0)
    logits = (
        jnp.dot(h1_ref[...], wr_ref[:D, :], preferred_element_type=jnp.float32)
        + jnp.dot(h2, wr_ref[D:, :], preferred_element_type=jnp.float32)
        + br_ref[0, :]
    )
    m = jnp.max(logits, axis=1, keepdims=True)
    z = logits - m
    lse = jnp.log(jnp.sum(jnp.exp(z), axis=1, keepdims=True))
    out_ref[...] = z - lse


def _node_blk(shape_minor):
    return pl.BlockSpec((BN,) + shape_minor, lambda i: (i,) + (0,) * len(shape_minor))


def _slab_blk(half):
    return pl.BlockSpec((BN, H), lambda i, _h=half: (_h * GRID + i, 0))


_degp_blk = pl.BlockSpec((BN, 2), lambda i: (i, 0))


def _full_blk(shape):
    return pl.BlockSpec(shape, lambda i: (0,) * len(shape))


_tc_in = pl.pallas_call(
    _tc_in_body,
    grid=(GRID,),
    in_specs=[_node_blk((D,)), _full_blk((D, D)), _degp_blk],
    out_specs=[_node_blk((H,)), _node_blk((H,))],
    out_shape=(
        jax.ShapeDtypeStruct((NNP, H), jnp.float32),
        jax.ShapeDtypeStruct((NNP, H), jnp.float32),
    ),
)

_tc_mid = pl.pallas_call(
    _tc_mid_body,
    grid=(GRID,),
    in_specs=[_slab_blk(0), _slab_blk(1), _degp_blk,
              _full_blk((1, D)), _full_blk((D, D))],
    out_specs=[_node_blk((D,)), _node_blk((H,)), _node_blk((H,))],
    out_shape=(
        jax.ShapeDtypeStruct((N, D), jnp.float32),
        jax.ShapeDtypeStruct((NNP, H), jnp.float32),
        jax.ShapeDtypeStruct((NNP, H), jnp.float32),
    ),
)

_tc_out = pl.pallas_call(
    _tc_out_body,
    grid=(GRID,),
    in_specs=[_slab_blk(0), _slab_blk(1), _degp_blk,
              _full_blk((1, D)), _node_blk((D,)), _full_blk((2 * D, 40)),
              _full_blk((1, 40))],
    out_specs=_node_blk((40,)),
    out_shape=jax.ShapeDtypeStruct((N, 40), jnp.float32),
)


def kernel(x, edge_index, W1, b1, W2, b2, Wr, br):
    src2d = edge_index[0].astype(jnp.int32).reshape(NROW, K)
    dst2d = edge_index[1].astype(jnp.int32).reshape(NROW, K)
    gsrc2d = jnp.concatenate([src2d, src2d + NNP], axis=0)

    degp = _deg_kernel()(dst2d).reshape(2, N).T

    y0, y1 = _tc_in(x, W1, degp)
    a = _agg_kernel()(gsrc2d, dst2d, jnp.concatenate([y0, y1], axis=0))
    h1, z0, z1 = _tc_mid(a, a, degp, b1.reshape(1, D), W2)
    g = _agg_kernel()(gsrc2d, dst2d, jnp.concatenate([z0, z1], axis=0))
    return _tc_out(g, g, degp, b2.reshape(1, D), h1, Wr, br.reshape(1, 40))

# --- scband reference (transcript-rebuilt; emitter-appended) ---
"""Pipeline reference for scband-gcnjumping-knowledge-28252294873766 (READ-ONLY COPY).

The authoritative reference and input builder live on the scoring server;
editing this copy changes nothing except your own understanding.
"""

import jax, jax.numpy as jnp
import numpy as np

N_NODES = 10000
D_IN = 256
HIDDEN = [256, 256]
D_OUT = 40


def gcn_conv(x, src, dst, W, b, n_nodes):
    # PyG GCNConv: add self-loops, symmetric normalization, aggregate at dst (edge_index[1])
    loop = jnp.arange(n_nodes, dtype=src.dtype)
    s = jnp.concatenate([src, loop])
    d = jnp.concatenate([dst, loop])
    deg = jnp.zeros((n_nodes,), dtype=x.dtype).at[d].add(1.0)
    dinv = jnp.where(deg > 0, deg ** -0.5, 0.0)
    norm = dinv[s] * dinv[d]
    xw = x @ W
    msg = xw[s] * norm[:, None]
    out = jnp.zeros((n_nodes, W.shape[1]), dtype=x.dtype).at[d].add(msg)
    return out + b


def setup_inputs(seed: int = 0) -> dict:
    key = jax.random.key(seed)
    ks = jax.random.split(key, 8)
    x = jax.random.normal(ks[0], (N_NODES, D_IN), dtype=jnp.float32)
    edge_index = jax.random.randint(ks[1], (2, 160000), 0, N_NODES, dtype=jnp.int64)
    def glorot(k, shape):
        lim = np.sqrt(6.0 / (shape[0] + shape[1]))
        return jax.random.uniform(k, shape, minval=-lim, maxval=lim, dtype=jnp.float32)
    W1 = glorot(ks[2], (D_IN, HIDDEN[0]))
    b1 = jnp.zeros((HIDDEN[0],), dtype=jnp.float32)
    W2 = glorot(ks[3], (HIDDEN[0], HIDDEN[1]))
    b2 = jnp.zeros((HIDDEN[1],), dtype=jnp.float32)
    Wr = glorot(ks[4], (HIDDEN[0] + HIDDEN[1], D_OUT))
    br = jnp.zeros((D_OUT,), dtype=jnp.float32)
    return {"x": x, "edge_index": edge_index, "W1": W1, "b1": b1, "W2": W2, "b2": b2, "Wr": Wr, "br": br}


def reference(x, edge_index, W1, b1, W2, b2, Wr, br):
    n_nodes = x.shape[0]
    src, dst = edge_index[0], edge_index[1]
    hidden_states = []
    h = jax.nn.relu(gcn_conv(x, src, dst, W1, b1, n_nodes))
    # dropout is identity in eval mode
    hidden_states.append(h)
    h = jax.nn.relu(gcn_conv(h, src, dst, W2, b2, n_nodes))
    hidden_states.append(h)
    cat = jnp.concatenate(hidden_states, axis=1)
    logits = cat @ Wr + br
    return jax.nn.log_softmax(logits, axis=1)

if __name__ == "__main__":
    import jax
    _d = setup_inputs()
    print(jax.jit(kernel)(*tuple(_d.values())))

</pallas_src>

<mosaic_0001>
#map = affine_map<(d0, d1) -> (0, 0)>
#map1 = affine_map<(d0, d1) -> (0)>
module attributes {stable_mosaic.version = 14 : i64} {
  func.func @_deg_body(%arg0: i32, %arg1: i32, %arg2: memref<1280x125xi32, #tpu.memory_space<hbm>>, %arg3: memref<20000xf32, #tpu.memory_space<hbm>>, %arg4: memref<40x125xi32, #tpu.memory_space<vmem>>, %arg5: memref<128xf32, #tpu.memory_space<vmem>>, %arg6: memref<10016xf32, #tpu.memory_space<vmem>>, %arg7: memref<10016xf32, #tpu.memory_space<vmem_shared>>) attributes {dimension_semantics = [#tpu.dimension_semantics<core_parallel>, #tpu.dimension_semantics<subcore_parallel>], iteration_bounds = array<i64: 2, 16>, scalar_prefetch = 0 : i64, scratch_operands = 4 : i64, tpu.core_type = #tpu.core_type<sc_vector_subcore>, window_params = [{transform_indices = #map}, {transform_indices = #map1}]} {
    %mul3A = arith.constant 2 : i32
    %mul3A_0 = arith.muli %arg1, %mul3A : i32
    %add3A = arith.addi %mul3A_0, %arg0 : i32
    %mul3A_1 = arith.constant 40 : i32
    %mul3A_2 = arith.muli %add3A, %mul3A_1 : i32
    "tpu.region"() ({
      %run_scoped3A = tpu.sem_alloc : memref<!tpu.dma_semaphore, #tpu.memory_space<semaphore_mem>>
      %dma_start3A = arith.constant 0 : i32
      %dma_start3A_23 = tpu.memref_slice %arg2[%mul3A_2, %dma_start3A] : memref<1280x125xi32, #tpu.memory_space<hbm>> -> memref<40x125xi32, #tpu.memory_space<hbm>>
      %dma_start3A_24 = arith.constant 0 : i32
      %dma_start3A_25 = tpu.memref_slice %arg2[%mul3A_2, %dma_start3A_24] : memref<1280x125xi32, #tpu.memory_space<hbm>> -> memref<40x125xi32, #tpu.memory_space<hbm>>
      tpu.enqueue_dma source(%dma_start3A_25 : memref<40x125xi32, #tpu.memory_space<hbm>>) target(%arg4 : memref<40x125xi32, #tpu.memory_space<vmem>>) target_semaphore(%run_scoped3A : memref<!tpu.dma_semaphore, #tpu.memory_space<semaphore_mem>>)
      %dma_wait3A = arith.constant 0 : i32
      %dma_wait3A_26 = tpu.memref_slice %arg2[%mul3A_2, %dma_wait3A] : memref<1280x125xi32, #tpu.memory_space<hbm>> -> memref<40x125xi32, #tpu.memory_space<hbm>>
      %dma_wait3A_27 = arith.constant 0 : i32
      %dma_wait3A_28 = tpu.memref_slice %arg2[%mul3A_2, %dma_wait3A_27] : memref<1280x125xi32, #tpu.memory_space<hbm>> -> memref<40x125xi32, #tpu.memory_space<hbm>>
      tpu.wait_dma2 semaphore(%run_scoped3A : memref<!tpu.dma_semaphore, #tpu.memory_space<semaphore_mem>>) src(%dma_wait3A_28 : memref<40x125xi32, #tpu.memory_space<hbm>>) dst(%arg4 : memref<40x125xi32, #tpu.memory_space<vmem>>)
      tpu.yield
    }) : () -> ()
    %broadcast_in_dim3A = arith.constant 1.000000e+00 : f32
    %broadcast_in_dim3A_3 = vector.broadcast %broadcast_in_dim3A : f32 to vector<16xf32>
    %scan3A = arith.constant 0 : i32
    %scan3A_4 = arith.constant 0 : i32
    %scan3A_5 = arith.constant 8 : i32
    %scan3A_6 = arith.addi %scan3A_4, %scan3A_5 : i32
    %scan3A_7 = arith.constant 1 : i32
    scf.for %scan3A_23 = %scan3A_4 to %scan3A_6 step %scan3A_7  : i32 {
      %mul3A_24 = arith.constant 16 : i32
      %mul3A_25 = arith.muli %scan3A_23, %mul3A_24 : i32
      %swap3A = arith.index_cast %mul3A_25 : i32 to index
      %swap3A_26 = tpu.vector_load %arg5[%swap3A] {strides = array<i32>} : memref<128xf32, #tpu.memory_space<vmem>>, vector<16xf32>,
      %swap3A_27 = vector.shape_cast %swap3A_26 : vector<16xf32> to vector<16xf32>
      %swap3A_28 = vector.shape_cast %broadcast_in_dim3A_3 : vector<16xf32> to vector<16xf32>
      tpu.vector_store %arg5[%swap3A], %swap3A_28 {strides = array<i32>} : memref<128xf32, #tpu.memory_space<vmem>>, vector<16xf32>,
    }
    %scan3A_8 = arith.constant 8 : i32
    %eq3A = arith.constant 0 : i32
    %eq3A_9 = arith.cmpi eq, %arg1, %eq3A : i32
    %convert_element_type3A = arith.extui %eq3A_9 : i1 to i32
    %cond3A = arith.constant 0 : i32
    %cond3A_10 = arith.cmpi ne, %convert_element_type3A, %cond3A : i32
    scf.if %cond3A_10 {
      %broadcast_in_dim3A_23 = arith.constant 0.000000e+00 : f32
      %broadcast_in_dim3A_24 = vector.broadcast %broadcast_in_dim3A_23 : f32 to vector<16xf32>
      %scan3A_25 = arith.constant 0 : i32
      %scan3A_26 = arith.constant 0 : i32
      %scan3A_27 = arith.constant 626 : i32
      %scan3A_28 = arith.addi %scan3A_26, %scan3A_27 : i32
      %scan3A_29 = arith.constant 1 : i32
      scf.for %scan3A_31 = %scan3A_26 to %scan3A_28 step %scan3A_29  : i32 {
        %mul3A_32 = arith.constant 16 : i32
        %mul3A_33 = arith.muli %scan3A_31, %mul3A_32 : i32
        %swap3A = arith.index_cast %mul3A_33 : i32 to index
        %swap3A_34 = tpu.vector_load %arg6[%swap3A] {strides = array<i32>} : memref<10016xf32, #tpu.memory_space<vmem>>, vector<16xf32>,
        %swap3A_35 = vector.shape_cast %swap3A_34 : vector<16xf32> to vector<16xf32>
        %swap3A_36 = vector.shape_cast %broadcast_in_dim3A_24 : vector<16xf32> to vector<16xf32>
        tpu.vector_store %arg6[%swap3A], %swap3A_36 {strides = array<i32>} : memref<10016xf32, #tpu.memory_space<vmem>>, vector<16xf32>,
      }
      %scan3A_30 = arith.constant 626 : i32
      "tpu.region"() ({
        %run_scoped3A = tpu.sem_alloc : memref<!tpu.dma_semaphore, #tpu.memory_space<semaphore_mem>>
        tpu.enqueue_dma source(%arg6 : memref<10016xf32, #tpu.memory_space<vmem>>) target(%arg7 : memref<10016xf32, #tpu.memory_space<vmem_shared>>) target_semaphore(%run_scoped3A : memref<!tpu.dma_semaphore, #tpu.memory_space<semaphore_mem>>)
        tpu.wait_dma2 semaphore(%run_scoped3A : memref<!tpu.dma_semaphore, #tpu.memory_space<semaphore_mem>>) src(%arg6 : memref<10016xf32, #tpu.memory_space<vmem>>) dst(%arg7 : memref<10016xf32, #tpu.memory_space<vmem_shared>>)
        tpu.yield
      }) : () -> ()
    } else {
    }
    %barrier3A = arith.constant 0 : index
    tpu.barrier barrier_id(%barrier3A)
    %scan3A_11 = arith.constant 0 : i32
    %scan3A_12 = arith.constant 0 : i32
    %scan3A_13 = arith.constant 40 : i32
    %scan3A_14 = arith.addi %scan3A_12, %scan3A_13 : i32
    %scan3A_15 = arith.constant 1 : i32
    scf.for %scan3A_23 = %scan3A_12 to %scan3A_14 step %scan3A_15  : i32 {
      "tpu.region"() ({
        %run_scoped3A = tpu.sem_alloc : memref<!tpu.dma_semaphore, #tpu.memory_space<semaphore_mem>>
        %dma_start3A = arith.constant 0 : i32
        %dma_start3A_24 = tpu.memref_slice %arg5[%dma_start3A] : memref<128xf32, #tpu.memory_space<vmem>> -> memref<125xf32, #tpu.memory_space<vmem>>
        %dma_start3A_25 = arith.constant 0 : i32
        %dma_start3A_26 = tpu.memref_slice %arg4[%scan3A_23, %dma_start3A_25] : memref<40x125xi32, #tpu.memory_space<vmem>> -> memref<1x125xi32, #tpu.memory_space<vmem>>
        %dma_start3A_27 = tpu.memref_squeeze %dma_start3A_26 : memref<1x125xi32, #tpu.memory_space<vmem>> -> memref<125xi32, #tpu.memory_space<vmem>>
        %dma_start3A_28 = arith.constant 0 : i32
        %dma_start3A_29 = tpu.memref_slice %arg7[%dma_start3A_28] : memref<10016xf32, #tpu.memory_space<vmem_shared>> -> memref<10016xf32, #tpu.memory_space<vmem_shared>>
        tpu.enqueue_indirect_dma source(%dma_start3A_24 : memref<125xf32, #tpu.memory_space<vmem>>) target(%dma_start3A_29 : memref<10016xf32, #tpu.memory_space<vmem_shared>>) offsets(%dma_start3A_27 : memref<125xi32, #tpu.memory_space<vmem>>) semaphore(%run_scoped3A : memref<!tpu.dma_semaphore, #tpu.memory_space<semaphore_mem>>) {add = true}
        %dma_wait3A = arith.constant 0 : i32
        %dma_wait3A_30 = tpu.memref_slice %arg5[%dma_wait3A] : memref<128xf32, #tpu.memory_space<vmem>> -> memref<125xf32, #tpu.memory_space<vmem>>
        %dma_wait3A_31 = arith.constant 0 : i32
        %dma_wait3A_32 = tpu.memref_slice %arg4[%scan3A_23, %dma_wait3A_31] : memref<40x125xi32, #tpu.memory_space<vmem>> -> memref<1x125xi32, #tpu.memory_space<vmem>>
        %dma_wait3A_33 = tpu.memref_squeeze %dma_wait3A_32 : memref<1x125xi32, #tpu.memory_space<vmem>> -> memref<125xi32, #tpu.memory_space<vmem>>
        %dma_wait3A_34 = arith.constant 0 : i32
        %dma_wait3A_35 = tpu.memref_slice %arg7[%dma_wait3A_34] : memref<10016xf32, #tpu.memory_space<vmem_shared>> -> memref<10016xf32, #tpu.memory_space<vmem_shared>>
        tpu.wait_indirect_dma semaphore(%run_scoped3A : memref<!tpu.dma_semaphore, #tpu.memory_space<semaphore_mem>>) src(%dma_wait3A_30 : memref<125xf32, #tpu.memory_space<vmem>>) dst(%dma_wait3A_35 : memref<10016xf32, #tpu.memory_space<vmem_shared>>)
        tpu.yield
      }) : () -> ()
    }
    %scan3A_16 = arith.constant 40 : i32
    %barrier3A_17 = arith.constant 0 : index
    tpu.barrier barrier_id(%barrier3A_17)
    %eq3A_18 = arith.constant 0 : i32
    %eq3A_19 = arith.cmpi eq, %arg1, %eq3A_18 : i32
    %convert_element_type3A_20 = arith.extui %eq3A_19 : i1 to i32
    %cond3A_21 = arith.constant 0 : i32
    %cond3A_22 = arith.cmpi ne, %convert_element_type3A_20, %cond3A_21 : i32
    scf.if %cond3A_22 {
      "tpu.region"() ({
        %run_scoped3A = tpu.sem_alloc : memref<!tpu.dma_semaphore, #tpu.memory_space<semaphore_mem>>
        tpu.enqueue_dma source(%arg7 : memref<10016xf32, #tpu.memory_space<vmem_shared>>) target(%arg6 : memref<10016xf32, #tpu.memory_space<vmem>>) target_semaphore(%run_scoped3A : memref<!tpu.dma_semaphore, #tpu.memory_space<semaphore_mem>>)
        tpu.wait_dma2 semaphore(%run_scoped3A : memref<!tpu.dma_semaphore, #tpu.memory_space<semaphore_mem>>) src(%arg7 : memref<10016xf32, #tpu.memory_space<vmem_shared>>) dst(%arg6 : memref<10016xf32, #tpu.memory_space<vmem>>)
        tpu.yield
      }) : () -> ()
      %mul3A_23 = arith.constant 10000 : i32
      %mul3A_24 = arith.muli %arg0, %mul3A_23 : i32
      "tpu.region"() ({
        %run_scoped3A = tpu.sem_alloc : memref<!tpu.dma_semaphore, #tpu.memory_space<semaphore_mem>>
        %dma_start3A = arith.constant 0 : i32
        %dma_start3A_25 = tpu.memref_slice %arg6[%dma_start3A] : memref<10016xf32, #tpu.memory_space<vmem>> -> memref<10000xf32, #tpu.memory_space<vmem>>
        %dma_start3A_26 = tpu.memref_slice %arg3[%mul3A_24] : memref<20000xf32, #tpu.memory_space<hbm>> -> memref<10000xf32, #tpu.memory_space<hbm>>
        %dma_start3A_27 = tpu.memref_slice %arg3[%mul3A_24] : memref<20000xf32, #tpu.memory_space<hbm>> -> memref<10000xf32, #tpu.memory_space<hbm>>
        %dma_start3A_28 = arith.constant 0 : i32
        %dma_start3A_29 = tpu.memref_slice %arg6[%dma_start3A_28] : memref<10016xf32, #tpu.memory_space<vmem>> -> memref<10000xf32, #tpu.memory_space<vmem>>
        tpu.enqueue_dma source(%dma_start3A_29 : memref<10000xf32, #tpu.memory_space<vmem>>) target(%dma_start3A_27 : memref<10000xf32, #tpu.memory_space<hbm>>) target_semaphore(%run_scoped3A : memref<!tpu.dma_semaphore, #tpu.memory_space<semaphore_mem>>)
        %dma_wait3A = arith.constant 0 : i32
        %dma_wait3A_30 = tpu.memref_slice %arg6[%dma_wait3A] : memref<10016xf32, #tpu.memory_space<vmem>> -> memref<10000xf32, #tpu.memory_space<vmem>>
        %dma_wait3A_31 = tpu.memref_slice %arg3[%mul3A_24] : memref<20000xf32, #tpu.memory_space<hbm>> -> memref<10000xf32, #tpu.memory_space<hbm>>
        %dma_wait3A_32 = tpu.memref_slice %arg3[%mul3A_24] : memref<20000xf32, #tpu.memory_space<hbm>> -> memref<10000xf32, #tpu.memory_space<hbm>>
        %dma_wait3A_33 = arith.constant 0 : i32
        %dma_wait3A_34 = tpu.memref_slice %arg6[%dma_wait3A_33] : memref<10016xf32, #tpu.memory_space<vmem>> -> memref<10000xf32, #tpu.memory_space<vmem>>
        tpu.wait_dma2 semaphore(%run_scoped3A : memref<!tpu.dma_semaphore, #tpu.memory_space<semaphore_mem>>) src(%dma_wait3A_34 : memref<10000xf32, #tpu.memory_space<vmem>>) dst(%dma_wait3A_32 : memref<10000xf32, #tpu.memory_space<hbm>>)
        tpu.yield
      }) : () -> ()
    } else {
    }
    return
  }
}

#map = affine_map<(d0, d1) -> (0, 0)>
module attributes {stable_mosaic.version = 14 : i64} {
  func.func @_agg_body(%arg0: i32, %arg1: i32, %arg2: memref<2560x125xi32, #tpu.memory_space<hbm>>, %arg3: memref<1280x125xi32, #tpu.memory_space<hbm>>, %arg4: memref<20480x128xf32, #tpu.memory_space<hbm>>, %arg5: memref<20480x128xf32, #tpu.memory_space<hbm>>, %arg6: memref<40x125xi32, #tpu.memory_space<vmem>>, %arg7: memref<40x125xi32, #tpu.memory_space<vmem>>, %arg8: memref<128x128xf32, #tpu.memory_space<vmem>>, %arg9: memref<128x128xf32, #tpu.memory_space<vmem>>, %arg10: memref<10240x128xf32, #tpu.memory_space<vmem_shared>>, %arg11: memref<!tpu.dma_semaphore, #tpu.memory_space<semaphore_mem>>, %arg12: memref<!tpu.dma_semaphore, #tpu.memory_space<semaphore_mem>>) attributes {dimension_semantics = [#tpu.dimension_semantics<core_parallel>, #tpu.dimension_semantics<subcore_parallel>], iteration_bounds = array<i64: 2, 16>, scalar_prefetch = 0 : i64, scratch_operands = 7 : i64, tpu.core_type = #tpu.core_type<sc_vector_subcore>, window_params = [{transform_indices = #map}, {transform_indices = #map}, {transform_indices = #map}, {transform_indices = #map}]} {
    %mul3A = arith.constant 10240 : i32
    %mul3A_0 = arith.muli %arg0, %mul3A : i32
    %scan3A = arith.constant 0 : i32
    %scan3A_1 = arith.constant 0 : i32
    %scan3A_2 = arith.constant 5 : i32
    %scan3A_3 = arith.addi %scan3A_1, %scan3A_2 : i32
    %scan3A_4 = arith.constant 1 : i32
    scf.for %scan3A_19 = %scan3A_1 to %scan3A_3 step %scan3A_4  : i32 {
      %mul3A_20 = arith.constant 640 : i32
      %mul3A_21 = arith.muli %arg1, %mul3A_20 : i32
      %mul3A_22 = arith.constant 128 : i32
      %mul3A_23 = arith.muli %scan3A_19, %mul3A_22 : i32
      %add3A = arith.addi %mul3A_21, %mul3A_23 : i32
      %add3A_24 = arith.addi %mul3A_0, %add3A : i32
      "tpu.region"() ({
        %run_scoped3A = tpu.sem_alloc : memref<!tpu.dma_semaphore, #tpu.memory_space<semaphore_mem>>
        %dma_start3A = arith.constant 0 : i32
        %dma_start3A_25 = tpu.memref_slice %arg4[%add3A_24, %dma_start3A] : memref<20480x128xf32, #tpu.memory_space<hbm>> -> memref<128x128xf32, #tpu.memory_space<hbm>>
        %dma_start3A_26 = arith.constant 0 : i32
        %dma_start3A_27 = tpu.memref_slice %arg4[%add3A_24, %dma_start3A_26] : memref<20480x128xf32, #tpu.memory_space<hbm>> -> memref<128x128xf32, #tpu.memory_space<hbm>>
        tpu.enqueue_dma source(%dma_start3A_27 : memref<128x128xf32, #tpu.memory_space<hbm>>) target(%arg8 : memref<128x128xf32, #tpu.memory_space<vmem>>) target_semaphore(%run_scoped3A : memref<!tpu.dma_semaphore, #tpu.memory_space<semaphore_mem>>)
        %dma_wait3A = arith.constant 0 : i32
        %dma_wait3A_28 = tpu.memref_slice %arg4[%add3A_24, %dma_wait3A] : memref<20480x128xf32, #tpu.memory_space<hbm>> -> memref<128x128xf32, #tpu.memory_space<hbm>>
        %dma_wait3A_29 = arith.constant 0 : i32
        %dma_wait3A_30 = tpu.memref_slice %arg4[%add3A_24, %dma_wait3A_29] : memref<20480x128xf32, #tpu.memory_space<hbm>> -> memref<128x128xf32, #tpu.memory_space<hbm>>
        tpu.wait_dma2 semaphore(%run_scoped3A : memref<!tpu.dma_semaphore, #tpu.memory_space<semaphore_mem>>) src(%dma_wait3A_30 : memref<128x128xf32, #tpu.memory_space<hbm>>) dst(%arg8 : memref<128x128xf32, #tpu.memory_space<vmem>>)
        tpu.yield
      }) : () -> ()
      "tpu.region"() ({
        %run_scoped3A = tpu.sem_alloc : memref<!tpu.dma_semaphore, #tpu.memory_space<semaphore_mem>>
        %dma_start3A = arith.constant 0 : i32
        %dma_start3A_25 = tpu.memref_slice %arg10[%add3A, %dma_start3A] : memref<10240x128xf32, #tpu.memory_space<vmem_shared>> -> memref<128x128xf32, #tpu.memory_space<vmem_shared>>
        %dma_start3A_26 = arith.constant 0 : i32
        %dma_start3A_27 = tpu.memref_slice %arg10[%add3A, %dma_start3A_26] : memref<10240x128xf32, #tpu.memory_space<vmem_shared>> -> memref<128x128xf32, #tpu.memory_space<vmem_shared>>
        tpu.enqueue_dma source(%arg8 : memref<128x128xf32, #tpu.memory_space<vmem>>) target(%dma_start3A_27 : memref<128x128xf32, #tpu.memory_space<vmem_shared>>) target_semaphore(%run_scoped3A : memref<!tpu.dma_semaphore, #tpu.memory_space<semaphore_mem>>)
        %dma_wait3A = arith.constant 0 : i32
        %dma_wait3A_28 = tpu.memref_slice %arg10[%add3A, %dma_wait3A] : memref<10240x128xf32, #tpu.memory_space<vmem_shared>> -> memref<128x128xf32, #tpu.memory_space<vmem_shared>>
        %dma_wait3A_29 = arith.constant 0 : i32
        %dma_wait3A_30 = tpu.memref_slice %arg10[%add3A, %dma_wait3A_29] : memref<10240x128xf32, #tpu.memory_space<vmem_shared>> -> memref<128x128xf32, #tpu.memory_space<vmem_shared>>
        tpu.wait_dma2 semaphore(%run_scoped3A : memref<!tpu.dma_semaphore, #tpu.memory_space<semaphore_mem>>) src(%arg8 : memref<128x128xf32, #tpu.memory_space<vmem>>) dst(%dma_wait3A_30 : memref<128x128xf32, #tpu.memory_space<vmem_shared>>)
        tpu.yield
      }) : () -> ()
    }
    %scan3A_5 = arith.constant 5 : i32
    %barrier3A = arith.constant 0 : index
    tpu.barrier barrier_id(%barrier3A)
    %scan3A_6 = arith.constant 0 : i32
    %scan3A_7 = arith.constant 0 : i32
    %scan3A_8 = arith.constant 2 : i32
    %scan3A_9 = arith.addi %scan3A_7, %scan3A_8 : i32
    %scan3A_10 = arith.constant 1 : i32
    scf.for %scan3A_19 = %scan3A_7 to %scan3A_9 step %scan3A_10  : i32 {
      %mul3A_20 = arith.constant 1280 : i32
      %mul3A_21 = arith.muli %arg0, %mul3A_20 : i32
      %mul3A_22 = arith.constant 80 : i32
      %mul3A_23 = arith.muli %arg1, %mul3A_22 : i32
      %add3A = arith.addi %mul3A_21, %mul3A_23 : i32
      %mul3A_24 = arith.constant 40 : i32
      %mul3A_25 = arith.muli %scan3A_19, %mul3A_24 : i32
      %add3A_26 = arith.addi %add3A, %mul3A_25 : i32
      "tpu.region"() ({
        %run_scoped3A = tpu.sem_alloc : memref<!tpu.dma_semaphore, #tpu.memory_space<semaphore_mem>>
        %dma_start3A_47 = arith.constant 0 : i32
        %dma_start3A_48 = tpu.memref_slice %arg2[%add3A_26, %dma_start3A_47] : memref<2560x125xi32, #tpu.memory_space<hbm>> -> memref<40x125xi32, #tpu.memory_space<hbm>>
        %dma_start3A_49 = arith.constant 0 : i32
        %dma_start3A_50 = tpu.memref_slice %arg2[%add3A_26, %dma_start3A_49] : memref<2560x125xi32, #tpu.memory_space<hbm>> -> memref<40x125xi32, #tpu.memory_space<hbm>>
        tpu.enqueue_dma source(%dma_start3A_50 : memref<40x125xi32, #tpu.memory_space<hbm>>) target(%arg6 : memref<40x125xi32, #tpu.memory_space<vmem>>) target_semaphore(%run_scoped3A : memref<!tpu.dma_semaphore, #tpu.memory_space<semaphore_mem>>)
        %dma_wait3A = arith.constant 0 : i32
        %dma_wait3A_51 = tpu.memref_slice %arg2[%add3A_26, %dma_wait3A] : memref<2560x125xi32, #tpu.memory_space<hbm>> -> memref<40x125xi32, #tpu.memory_space<hbm>>
        %dma_wait3A_52 = arith.constant 0 : i32
        %dma_wait3A_53 = tpu.memref_slice %arg2[%add3A_26, %dma_wait3A_52] : memref<2560x125xi32, #tpu.memory_space<hbm>> -> memref<40x125xi32, #tpu.memory_space<hbm>>
        tpu.wait_dma2 semaphore(%run_scoped3A : memref<!tpu.dma_semaphore, #tpu.memory_space<semaphore_mem>>) src(%dma_wait3A_53 : memref<40x125xi32, #tpu.memory_space<hbm>>) dst(%arg6 : memref<40x125xi32, #tpu.memory_space<vmem>>)
        tpu.yield
      }) : () -> ()
      %mul3A_27 = arith.constant 80 : i32
      %mul3A_28 = arith.muli %arg1, %mul3A_27 : i32
      %mul3A_29 = arith.constant 40 : i32
      %mul3A_30 = arith.muli %scan3A_19, %mul3A_29 : i32
      %add3A_31 = arith.addi %mul3A_28, %mul3A_30 : i32
      "tpu.region"() ({
        %run_scoped3A = tpu.sem_alloc : memref<!tpu.dma_semaphore, #tpu.memory_space<semaphore_mem>>
        %dma_start3A_47 = arith.constant 0 : i32
        %dma_start3A_48 = tpu.memref_slice %arg3[%add3A_31, %dma_start3A_47] : memref<1280x125xi32, #tpu.memory_space<hbm>> -> memref<40x125xi32, #tpu.memory_space<hbm>>
        %dma_start3A_49 = arith.constant 0 : i32
        %dma_start3A_50 = tpu.memref_slice %arg3[%add3A_31, %dma_start3A_49] : memref<1280x125xi32, #tpu.memory_space<hbm>> -> memref<40x125xi32, #tpu.memory_space<hbm>>
        tpu.enqueue_dma source(%dma_start3A_50 : memref<40x125xi32, #tpu.memory_space<hbm>>) target(%arg7 : memref<40x125xi32, #tpu.memory_space<vmem>>) target_semaphore(%run_scoped3A : memref<!tpu.dma_semaphore, #tpu.memory_space<semaphore_mem>>)
        %dma_wait3A = arith.constant 0 : i32
        %dma_wait3A_51 = tpu.memref_slice %arg3[%add3A_31, %dma_wait3A] : memref<1280x125xi32, #tpu.memory_space<hbm>> -> memref<40x125xi32, #tpu.memory_space<hbm>>
        %dma_wait3A_52 = arith.constant 0 : i32
        %dma_wait3A_53 = tpu.memref_slice %arg3[%add3A_31, %dma_wait3A_52] : memref<1280x125xi32, #tpu.memory_space<hbm>> -> memref<40x125xi32, #tpu.memory_space<hbm>>
        tpu.wait_dma2 semaphore(%run_scoped3A : memref<!tpu.dma_semaphore, #tpu.memory_space<semaphore_mem>>) src(%dma_wait3A_53 : memref<40x125xi32, #tpu.memory_space<hbm>>) dst(%arg7 : memref<40x125xi32, #tpu.memory_space<vmem>>)
        tpu.yield
      }) : () -> ()
      %dma_start3A = arith.constant 0 : i32
      %dma_start3A_32 = arith.constant 0 : i32
      %dma_start3A_33 = arith.constant 0 : i32
      %dma_start3A_34 = tpu.memref_slice %arg8[%dma_start3A_32, %dma_start3A_33] : memref<128x128xf32, #tpu.memory_space<vmem>> -> memref<125x128xf32, #tpu.memory_space<vmem>>
      %dma_start3A_35 = arith.constant 0 : i32
      %dma_start3A_36 = tpu.memref_slice %arg6[%dma_start3A, %dma_start3A_35] : memref<40x125xi32, #tpu.memory_space<vmem>> -> memref<1x125xi32, #tpu.memory_space<vmem>>
      %dma_start3A_37 = tpu.memref_squeeze %dma_start3A_36 : memref<1x125xi32, #tpu.memory_space<vmem>> -> memref<125xi32, #tpu.memory_space<vmem>>
      %dma_start3A_38 = arith.constant 0 : i32
      %dma_start3A_39 = arith.constant 0 : i32
      %dma_start3A_40 = tpu.memref_slice %arg4[%dma_start3A_38, %dma_start3A_39] : memref<20480x128xf32, #tpu.memory_space<hbm>> -> memref<20480x128xf32, #tpu.memory_space<hbm>>
      tpu.enqueue_indirect_dma source(%dma_start3A_40 : memref<20480x128xf32, #tpu.memory_space<hbm>>) target(%dma_start3A_34 : memref<125x128xf32, #tpu.memory_space<vmem>>) offsets(%dma_start3A_37 : memref<125xi32, #tpu.memory_space<vmem>>) semaphore(%arg11 : memref<!tpu.dma_semaphore, #tpu.memory_space<semaphore_mem>>)
      %scan3A_41 = arith.constant 0 : i32
      %scan3A_42 = arith.constant 0 : i32
      %scan3A_43 = arith.constant 20 : i32
      %scan3A_44 = arith.addi %scan3A_42, %scan3A_43 : i32
      %scan3A_45 = arith.constant 1 : i32
      scf.for %scan3A_47 = %scan3A_42 to %scan3A_44 step %scan3A_45  : i32 {
        %mul3A_48 = arith.constant 2 : i32
        %mul3A_49 = arith.muli %mul3A_48, %scan3A_47 : i32
        %add3A_50 = arith.constant 1 : i32
        %add3A_51 = arith.addi %mul3A_49, %add3A_50 : i32
        %dma_start3A_52 = arith.constant 0 : i32
        %dma_start3A_53 = arith.constant 0 : i32
        %dma_start3A_54 = tpu.memref_slice %arg9[%dma_start3A_52, %dma_start3A_53] : memref<128x128xf32, #tpu.memory_space<vmem>> -> memref<125x128xf32, #tpu.memory_space<vmem>>
        %dma_start3A_55 = arith.constant 0 : i32
        %dma_start3A_56 = tpu.memref_slice %arg6[%add3A_51, %dma_start3A_55] : memref<40x125xi32, #tpu.memory_space<vmem>> -> memref<1x125xi32, #tpu.memory_space<vmem>>
        %dma_start3A_57 = tpu.memref_squeeze %dma_start3A_56 : memref<1x125xi32, #tpu.memory_space<vmem>> -> memref<125xi32, #tpu.memory_space<vmem>>
        %dma_start3A_58 = arith.constant 0 : i32
        %dma_start3A_59 = arith.constant 0 : i32
        %dma_start3A_60 = tpu.memref_slice %arg4[%dma_start3A_58, %dma_start3A_59] : memref<20480x128xf32, #tpu.memory_space<hbm>> -> memref<20480x128xf32, #tpu.memory_space<hbm>>
        tpu.enqueue_indirect_dma source(%dma_start3A_60 : memref<20480x128xf32, #tpu.memory_space<hbm>>) target(%dma_start3A_54 : memref<125x128xf32, #tpu.memory_space<vmem>>) offsets(%dma_start3A_57 : memref<125xi32, #tpu.memory_space<vmem>>) semaphore(%arg12 : memref<!tpu.dma_semaphore, #tpu.memory_space<semaphore_mem>>)
        %dma_wait3A = arith.constant 0 : i32
        %dma_wait3A_61 = arith.constant 0 : i32
        %dma_wait3A_62 = tpu.memref_slice %arg8[%dma_wait3A, %dma_wait3A_61] : memref<128x128xf32, #tpu.memory_space<vmem>> -> memref<125x128xf32, #tpu.memory_space<vmem>>
        %dma_wait3A_63 = arith.constant 0 : i32
        %dma_wait3A_64 = tpu.memref_slice %arg6[%mul3A_49, %dma_wait3A_63] : memref<40x125xi32, #tpu.memory_space<vmem>> -> memref<1x125xi32, #tpu.memory_space<vmem>>
        %dma_wait3A_65 = tpu.memref_squeeze %dma_wait3A_64 : memref<1x125xi32, #tpu.memory_space<vmem>> -> memref<125xi32, #tpu.memory_space<vmem>>
        %dma_wait3A_66 = arith.constant 0 : i32
        %dma_wait3A_67 = arith.constant 0 : i32
        %dma_wait3A_68 = tpu.memref_slice %arg4[%dma_wait3A_66, %dma_wait3A_67] : memref<20480x128xf32, #tpu.memory_space<hbm>> -> memref<20480x128xf32, #tpu.memory_space<hbm>>
        tpu.wait_indirect_dma semaphore(%arg11 : memref<!tpu.dma_semaphore, #tpu.memory_space<semaphore_mem>>) src(%dma_wait3A_68 : memref<20480x128xf32, #tpu.memory_space<hbm>>) dst(%dma_wait3A_62 : memref<125x128xf32, #tpu.memory_space<vmem>>)
        "tpu.region"() ({
          %run_scoped3A = tpu.sem_alloc : memref<!tpu.dma_semaphore, #tpu.memory_space<semaphore_mem>>
          %dma_start3A_82 = arith.constant 0 : i32
          %dma_start3A_83 = arith.constant 0 : i32
          %dma_start3A_84 = tpu.memref_slice %arg8[%dma_start3A_82, %dma_start3A_83] : memref<128x128xf32, #tpu.memory_space<vmem>> -> memref<125x128xf32, #tpu.memory_space<vmem>>
          %dma_start3A_85 = arith.constant 0 : i32
          %dma_start3A_86 = tpu.memref_slice %arg7[%mul3A_49, %dma_start3A_85] : memref<40x125xi32, #tpu.memory_space<vmem>> -> memref<1x125xi32, #tpu.memory_space<vmem>>
          %dma_start3A_87 = tpu.memref_squeeze %dma_start3A_86 : memref<1x125xi32, #tpu.memory_space<vmem>> -> memref<125xi32, #tpu.memory_space<vmem>>
          %dma_start3A_88 = arith.constant 0 : i32
          %dma_start3A_89 = arith.constant 0 : i32
          %dma_start3A_90 = tpu.memref_slice %arg10[%dma_start3A_88, %dma_start3A_89] : memref<10240x128xf32, #tpu.memory_space<vmem_shared>> -> memref<10240x128xf32, #tpu.memory_space<vmem_shared>>
          tpu.enqueue_indirect_dma source(%dma_start3A_84 : memref<125x128xf32, #tpu.memory_space<vmem>>) target(%dma_start3A_90 : memref<10240x128xf32, #tpu.memory_space<vmem_shared>>) offsets(%dma_start3A_87 : memref<125xi32, #tpu.memory_space<vmem>>) semaphore(%run_scoped3A : memref<!tpu.dma_semaphore, #tpu.memory_space<semaphore_mem>>) {add = true}
          %dma_wait3A_91 = arith.constant 0 : i32
          %dma_wait3A_92 = arith.constant 0 : i32
          %dma_wait3A_93 = tpu.memref_slice %arg8[%dma_wait3A_91, %dma_wait3A_92] : memref<128x128xf32, #tpu.memory_space<vmem>> -> memref<125x128xf32, #tpu.memory_space<vmem>>
          %dma_wait3A_94 = arith.constant 0 : i32
          %dma_wait3A_95 = tpu.memref_slice %arg7[%mul3A_49, %dma_wait3A_94] : memref<40x125xi32, #tpu.memory_space<vmem>> -> memref<1x125xi32, #tpu.memory_space<vmem>>
          %dma_wait3A_96 = tpu.memref_squeeze %dma_wait3A_95 : memref<1x125xi32, #tpu.memory_space<vmem>> -> memref<125xi32, #tpu.memory_space<vmem>>
          %dma_wait3A_97 = arith.constant 0 : i32
          %dma_wait3A_98 = arith.constant 0 : i32
          %dma_wait3A_99 = tpu.memref_slice %arg10[%dma_wait3A_97, %dma_wait3A_98] : memref<10240x128xf32, #tpu.memory_space<vmem_shared>> -> memref<10240x128xf32, #tpu.memory_space<vmem_shared>>
          tpu.wait_indirect_dma semaphore(%run_scoped3A : memref<!tpu.dma_semaphore, #tpu.memory_space<semaphore_mem>>) src(%dma_wait3A_93 : memref<125x128xf32, #tpu.memory_space<vmem>>) dst(%dma_wait3A_99 : memref<10240x128xf32, #tpu.memory_space<vmem_shared>>)
          tpu.yield
        }) : () -> ()
        %add3A_69 = arith.constant 2 : i32
        %add3A_70 = arith.addi %mul3A_49, %add3A_69 : i32
        %lt3A = arith.constant 40 : i32
        %lt3A_71 = arith.cmpi slt, %add3A_70, %lt3A : i32
        %convert_element_type3A = arith.extui %lt3A_71 : i1 to i32
        %cond3A = arith.constant 0 : i32
        %cond3A_72 = arith.cmpi ne, %convert_element_type3A, %cond3A : i32
        scf.if %cond3A_72 {
          %add3A_82 = arith.constant 2 : i32
          %add3A_83 = arith.addi %mul3A_49, %add3A_82 : i32
          %dma_start3A_84 = arith.constant 0 : i32
          %dma_start3A_85 = arith.constant 0 : i32
          %dma_start3A_86 = tpu.memref_slice %arg8[%dma_start3A_84, %dma_start3A_85] : memref<128x128xf32, #tpu.memory_space<vmem>> -> memref<125x128xf32, #tpu.memory_space<vmem>>
          %dma_start3A_87 = arith.constant 0 : i32
          %dma_start3A_88 = tpu.memref_slice %arg6[%add3A_83, %dma_start3A_87] : memref<40x125xi32, #tpu.memory_space<vmem>> -> memref<1x125xi32, #tpu.memory_space<vmem>>
          %dma_start3A_89 = tpu.memref_squeeze %dma_start3A_88 : memref<1x125xi32, #tpu.memory_space<vmem>> -> memref<125xi32, #tpu.memory_space<vmem>>
          %dma_start3A_90 = arith.constant 0 : i32
          %dma_start3A_91 = arith.constant 0 : i32
          %dma_start3A_92 = tpu.memref_slice %arg4[%dma_start3A_90, %dma_start3A_91] : memref<20480x128xf32, #tpu.memory_space<hbm>> -> memref<20480x128xf32, #tpu.memory_space<hbm>>
          tpu.enqueue_indirect_dma source(%dma_start3A_92 : memref<20480x128xf32, #tpu.memory_space<hbm>>) target(%dma_start3A_86 : memref<125x128xf32, #tpu.memory_space<vmem>>) offsets(%dma_start3A_89 : memref<125xi32, #tpu.memory_space<vmem>>) semaphore(%arg11 : memref<!tpu.dma_semaphore, #tpu.memory_space<semaphore_mem>>)
        } else {
        }
        %dma_wait3A_73 = arith.constant 0 : i32
        %dma_wait3A_74 = arith.constant 0 : i32
        %dma_wait3A_75 = tpu.memref_slice %arg9[%dma_wait3A_73, %dma_wait3A_74] : memref<128x128xf32, #tpu.memory_space<vmem>> -> memref<125x128xf32, #tpu.memory_space<vmem>>
        %dma_wait3A_76 = arith.constant 0 : i32
        %dma_wait3A_77 = tpu.memref_slice %arg6[%add3A_51, %dma_wait3A_76] : memref<40x125xi32, #tpu.memory_space<vmem>> -> memref<1x125xi32, #tpu.memory_space<vmem>>
        %dma_wait3A_78 = tpu.memref_squeeze %dma_wait3A_77 : memref<1x125xi32, #tpu.memory_space<vmem>> -> memref<125xi32, #tpu.memory_space<vmem>>
        %dma_wait3A_79 = arith.constant 0 : i32
        %dma_wait3A_80 = arith.constant 0 : i32
        %dma_wait3A_81 = tpu.memref_slice %arg4[%dma_wait3A_79, %dma_wait3A_80] : memref<20480x128xf32, #tpu.memory_space<hbm>> -> memref<20480x128xf32, #tpu.memory_space<hbm>>
        tpu.wait_indirect_dma semaphore(%arg12 : memref<!tpu.dma_semaphore, #tpu.memory_space<semaphore_mem>>) src(%dma_wait3A_81 : memref<20480x128xf32, #tpu.memory_space<hbm>>) dst(%dma_wait3A_75 : memref<125x128xf32, #tpu.memory_space<vmem>>)
        "tpu.region"() ({
          %run_scoped3A = tpu.sem_alloc : memref<!tpu.dma_semaphore, #tpu.memory_space<semaphore_mem>>
          %dma_start3A_82 = arith.constant 0 : i32
          %dma_start3A_83 = arith.constant 0 : i32
          %dma_start3A_84 = tpu.memref_slice %arg9[%dma_start3A_82, %dma_start3A_83] : memref<128x128xf32, #tpu.memory_space<vmem>> -> memref<125x128xf32, #tpu.memory_space<vmem>>
          %dma_start3A_85 = arith.constant 0 : i32
          %dma_start3A_86 = tpu.memref_slice %arg7[%add3A_51, %dma_start3A_85] : memref<40x125xi32, #tpu.memory_space<vmem>> -> memref<1x125xi32, #tpu.memory_space<vmem>>
          %dma_start3A_87 = tpu.memref_squeeze %dma_start3A_86 : memref<1x125xi32, #tpu.memory_space<vmem>> -> memref<125xi32, #tpu.memory_space<vmem>>
          %dma_start3A_88 = arith.constant 0 : i32
          %dma_start3A_89 = arith.constant 0 : i32
          %dma_start3A_90 = tpu.memref_slice %arg10[%dma_start3A_88, %dma_start3A_89] : memref<10240x128xf32, #tpu.memory_space<vmem_shared>> -> memref<10240x128xf32, #tpu.memory_space<vmem_shared>>
          tpu.enqueue_indirect_dma source(%dma_start3A_84 : memref<125x128xf32, #tpu.memory_space<vmem>>) target(%dma_start3A_90 : memref<10240x128xf32, #tpu.memory_space<vmem_shared>>) offsets(%dma_start3A_87 : memref<125xi32, #tpu.memory_space<vmem>>) semaphore(%run_scoped3A : memref<!tpu.dma_semaphore, #tpu.memory_space<semaphore_mem>>) {add = true}
          %dma_wait3A_91 = arith.constant 0 : i32
          %dma_wait3A_92 = arith.constant 0 : i32
          %dma_wait3A_93 = tpu.memref_slice %arg9[%dma_wait3A_91, %dma_wait3A_92] : memref<128x128xf32, #tpu.memory_space<vmem>> -> memref<125x128xf32, #tpu.memory_space<vmem>>
          %dma_wait3A_94 = arith.constant 0 : i32
          %dma_wait3A_95 = tpu.memref_slice %arg7[%add3A_51, %dma_wait3A_94] : memref<40x125xi32, #tpu.memory_space<vmem>> -> memref<1x125xi32, #tpu.memory_space<vmem>>
          %dma_wait3A_96 = tpu.memref_squeeze %dma_wait3A_95 : memref<1x125xi32, #tpu.memory_space<vmem>> -> memref<125xi32, #tpu.memory_space<vmem>>
          %dma_wait3A_97 = arith.constant 0 : i32
          %dma_wait3A_98 = arith.constant 0 : i32
          %dma_wait3A_99 = tpu.memref_slice %arg10[%dma_wait3A_97, %dma_wait3A_98] : memref<10240x128xf32, #tpu.memory_space<vmem_shared>> -> memref<10240x128xf32, #tpu.memory_space<vmem_shared>>
          tpu.wait_indirect_dma semaphore(%run_scoped3A : memref<!tpu.dma_semaphore, #tpu.memory_space<semaphore_mem>>) src(%dma_wait3A_93 : memref<125x128xf32, #tpu.memory_space<vmem>>) dst(%dma_wait3A_99 : memref<10240x128xf32, #tpu.memory_space<vmem_shared>>)
          tpu.yield
        }) : () -> ()
      }
      %scan3A_46 = arith.constant 20 : i32
    }
    %scan3A_11 = arith.constant 2 : i32
    %barrier3A_12 = arith.constant 0 : index
    tpu.barrier barrier_id(%barrier3A_12)
    %scan3A_13 = arith.constant 0 : i32
    %scan3A_14 = arith.constant 0 : i32
    %scan3A_15 = arith.constant 5 : i32
    %scan3A_16 = arith.addi %scan3A_14, %scan3A_15 : i32
    %scan3A_17 = arith.constant 1 : i32
    scf.for %scan3A_19 = %scan3A_14 to %scan3A_16 step %scan3A_17  : i32 {
      %mul3A_20 = arith.constant 640 : i32
      %mul3A_21 = arith.muli %arg1, %mul3A_20 : i32
      %mul3A_22 = arith.constant 128 : i32
      %mul3A_23 = arith.muli %scan3A_19, %mul3A_22 : i32
      %add3A = arith.addi %mul3A_21, %mul3A_23 : i32
      "tpu.region"() ({
        %run_scoped3A = tpu.sem_alloc : memref<!tpu.dma_semaphore, #tpu.memory_space<semaphore_mem>>
        %dma_start3A = arith.constant 0 : i32
        %dma_start3A_25 = tpu.memref_slice %arg10[%add3A, %dma_start3A] : memref<10240x128xf32, #tpu.memory_space<vmem_shared>> -> memref<128x128xf32, #tpu.memory_space<vmem_shared>>
        %dma_start3A_26 = arith.constant 0 : i32
        %dma_start3A_27 = tpu.memref_slice %arg10[%add3A, %dma_start3A_26] : memref<10240x128xf32, #tpu.memory_space<vmem_shared>> -> memref<128x128xf32, #tpu.memory_space<vmem_shared>>
        tpu.enqueue_dma source(%dma_start3A_27 : memref<128x128xf32, #tpu.memory_space<vmem_shared>>) target(%arg8 : memref<128x128xf32, #tpu.memory_space<vmem>>) target_semaphore(%run_scoped3A : memref<!tpu.dma_semaphore, #tpu.memory_space<semaphore_mem>>)
        %dma_wait3A = arith.constant 0 : i32
        %dma_wait3A_28 = tpu.memref_slice %arg10[%add3A, %dma_wait3A] : memref<10240x128xf32, #tpu.memory_space<vmem_shared>> -> memref<128x128xf32, #tpu.memory_space<vmem_shared>>
        %dma_wait3A_29 = arith.constant 0 : i32
        %dma_wait3A_30 = tpu.memref_slice %arg10[%add3A, %dma_wait3A_29] : memref<10240x128xf32, #tpu.memory_space<vmem_shared>> -> memref<128x128xf32, #tpu.memory_space<vmem_shared>>
        tpu.wait_dma2 semaphore(%run_scoped3A : memref<!tpu.dma_semaphore, #tpu.memory_space<semaphore_mem>>) src(%dma_wait3A_30 : memref<128x128xf32, #tpu.memory_space<vmem_shared>>) dst(%arg8 : memref<128x128xf32, #tpu.memory_space<vmem>>)
        tpu.yield
      }) : () -> ()
      %add3A_24 = arith.addi %mul3A_0, %add3A : i32
      "tpu.region"() ({
        %run_scoped3A = tpu.sem_alloc : memref<!tpu.dma_semaphore, #tpu.memory_space<semaphore_mem>>
        %dma_start3A = arith.constant 0 : i32
        %dma_start3A_25 = tpu.memref_slice %arg5[%add3A_24, %dma_start3A] : memref<20480x128xf32, #tpu.memory_space<hbm>> -> memref<128x128xf32, #tpu.memory_space<hbm>>
        %dma_start3A_26 = arith.constant 0 : i32
        %dma_start3A_27 = tpu.memref_slice %arg5[%add3A_24, %dma_start3A_26] : memref<20480x128xf32, #tpu.memory_space<hbm>> -> memref<128x128xf32, #tpu.memory_space<hbm>>
        tpu.enqueue_dma source(%arg8 : memref<128x128xf32, #tpu.memory_space<vmem>>) target(%dma_start3A_27 : memref<128x128xf32, #tpu.memory_space<hbm>>) target_semaphore(%run_scoped3A : memref<!tpu.dma_semaphore, #tpu.memory_space<semaphore_mem>>)
        %dma_wait3A = arith.constant 0 : i32
        %dma_wait3A_28 = tpu.memref_slice %arg5[%add3A_24, %dma_wait3A] : memref<20480x128xf32, #tpu.memory_space<hbm>> -> memref<128x128xf32, #tpu.memory_space<hbm>>
        %dma_wait3A_29 = arith.constant 0 : i32
        %dma_wait3A_30 = tpu.memref_slice %arg5[%add3A_24, %dma_wait3A_29] : memref<20480x128xf32, #tpu.memory_space<hbm>> -> memref<128x128xf32, #tpu.memory_space<hbm>>
        tpu.wait_dma2 semaphore(%run_scoped3A : memref<!tpu.dma_semaphore, #tpu.memory_space<semaphore_mem>>) src(%arg8 : memref<128x128xf32, #tpu.memory_space<vmem>>) dst(%dma_wait3A_30 : memref<128x128xf32, #tpu.memory_space<hbm>>)
        tpu.yield
      }) : () -> ()
    }
    %scan3A_18 = arith.constant 5 : i32
    return
  }
}

#map = affine_map<(d0, d1) -> (0, 0)>
module attributes {stable_mosaic.version = 14 : i64} {
  func.func @_agg_body(%arg0: i32, %arg1: i32, %arg2: memref<2560x125xi32, #tpu.memory_space<hbm>>, %arg3: memref<1280x125xi32, #tpu.memory_space<hbm>>, %arg4: memref<20480x128xf32, #tpu.memory_space<hbm>>, %arg5: memref<20480x128xf32, #tpu.memory_space<hbm>>, %arg6: memref<40x125xi32, #tpu.memory_space<vmem>>, %arg7: memref<40x125xi32, #tpu.memory_space<vmem>>, %arg8: memref<128x128xf32, #tpu.memory_space<vmem>>, %arg9: memref<128x128xf32, #tpu.memory_space<vmem>>, %arg10: memref<10240x128xf32, #tpu.memory_space<vmem_shared>>, %arg11: memref<!tpu.dma_semaphore, #tpu.memory_space<semaphore_mem>>, %arg12: memref<!tpu.dma_semaphore, #tpu.memory_space<semaphore_mem>>) attributes {dimension_semantics = [#tpu.dimension_semantics<core_parallel>, #tpu.dimension_semantics<subcore_parallel>], iteration_bounds = array<i64: 2, 16>, scalar_prefetch = 0 : i64, scratch_operands = 7 : i64, tpu.core_type = #tpu.core_type<sc_vector_subcore>, window_params = [{transform_indices = #map}, {transform_indices = #map}, {transform_indices = #map}, {transform_indices = #map}]} {
    %mul3A = arith.constant 10240 : i32
    %mul3A_0 = arith.muli %arg0, %mul3A : i32
    %scan3A = arith.constant 0 : i32
    %scan3A_1 = arith.constant 0 : i32
    %scan3A_2 = arith.constant 5 : i32
    %scan3A_3 = arith.addi %scan3A_1, %scan3A_2 : i32
    %scan3A_4 = arith.constant 1 : i32
    scf.for %scan3A_19 = %scan3A_1 to %scan3A_3 step %scan3A_4  : i32 {
      %mul3A_20 = arith.constant 640 : i32
      %mul3A_21 = arith.muli %arg1, %mul3A_20 : i32
      %mul3A_22 = arith.constant 128 : i32
      %mul3A_23 = arith.muli %scan3A_19, %mul3A_22 : i32
      %add3A = arith.addi %mul3A_21, %mul3A_23 : i32
      %add3A_24 = arith.addi %mul3A_0, %add3A : i32
      "tpu.region"() ({
        %run_scoped3A = tpu.sem_alloc : memref<!tpu.dma_semaphore, #tpu.memory_space<semaphore_mem>>
        %dma_start3A = arith.constant 0 : i32
        %dma_start3A_25 = tpu.memref_slice %arg4[%add3A_24, %dma_start3A] : memref<20480x128xf32, #tpu.memory_space<hbm>> -> memref<128x128xf32, #tpu.memory_space<hbm>>
        %dma_start3A_26 = arith.constant 0 : i32
        %dma_start3A_27 = tpu.memref_slice %arg4[%add3A_24, %dma_start3A_26] : memref<20480x128xf32, #tpu.memory_space<hbm>> -> memref<128x128xf32, #tpu.memory_space<hbm>>
        tpu.enqueue_dma source(%dma_start3A_27 : memref<128x128xf32, #tpu.memory_space<hbm>>) target(%arg8 : memref<128x128xf32, #tpu.memory_space<vmem>>) target_semaphore(%run_scoped3A : memref<!tpu.dma_semaphore, #tpu.memory_space<semaphore_mem>>)
        %dma_wait3A = arith.constant 0 : i32
        %dma_wait3A_28 = tpu.memref_slice %arg4[%add3A_24, %dma_wait3A] : memref<20480x128xf32, #tpu.memory_space<hbm>> -> memref<128x128xf32, #tpu.memory_space<hbm>>
        %dma_wait3A_29 = arith.constant 0 : i32
        %dma_wait3A_30 = tpu.memref_slice %arg4[%add3A_24, %dma_wait3A_29] : memref<20480x128xf32, #tpu.memory_space<hbm>> -> memref<128x128xf32, #tpu.memory_space<hbm>>
        tpu.wait_dma2 semaphore(%run_scoped3A : memref<!tpu.dma_semaphore, #tpu.memory_space<semaphore_mem>>) src(%dma_wait3A_30 : memref<128x128xf32, #tpu.memory_space<hbm>>) dst(%arg8 : memref<128x128xf32, #tpu.memory_space<vmem>>)
        tpu.yield
      }) : () -> ()
      "tpu.region"() ({
        %run_scoped3A = tpu.sem_alloc : memref<!tpu.dma_semaphore, #tpu.memory_space<semaphore_mem>>
        %dma_start3A = arith.constant 0 : i32
        %dma_start3A_25 = tpu.memref_slice %arg10[%add3A, %dma_start3A] : memref<10240x128xf32, #tpu.memory_space<vmem_shared>> -> memref<128x128xf32, #tpu.memory_space<vmem_shared>>
        %dma_start3A_26 = arith.constant 0 : i32
        %dma_start3A_27 = tpu.memref_slice %arg10[%add3A, %dma_start3A_26] : memref<10240x128xf32, #tpu.memory_space<vmem_shared>> -> memref<128x128xf32, #tpu.memory_space<vmem_shared>>
        tpu.enqueue_dma source(%arg8 : memref<128x128xf32, #tpu.memory_space<vmem>>) target(%dma_start3A_27 : memref<128x128xf32, #tpu.memory_space<vmem_shared>>) target_semaphore(%run_scoped3A : memref<!tpu.dma_semaphore, #tpu.memory_space<semaphore_mem>>)
        %dma_wait3A = arith.constant 0 : i32
        %dma_wait3A_28 = tpu.memref_slice %arg10[%add3A, %dma_wait3A] : memref<10240x128xf32, #tpu.memory_space<vmem_shared>> -> memref<128x128xf32, #tpu.memory_space<vmem_shared>>
        %dma_wait3A_29 = arith.constant 0 : i32
        %dma_wait3A_30 = tpu.memref_slice %arg10[%add3A, %dma_wait3A_29] : memref<10240x128xf32, #tpu.memory_space<vmem_shared>> -> memref<128x128xf32, #tpu.memory_space<vmem_shared>>
        tpu.wait_dma2 semaphore(%run_scoped3A : memref<!tpu.dma_semaphore, #tpu.memory_space<semaphore_mem>>) src(%arg8 : memref<128x128xf32, #tpu.memory_space<vmem>>) dst(%dma_wait3A_30 : memref<128x128xf32, #tpu.memory_space<vmem_shared>>)
        tpu.yield
      }) : () -> ()
    }
    %scan3A_5 = arith.constant 5 : i32
    %barrier3A = arith.constant 0 : index
    tpu.barrier barrier_id(%barrier3A)
    %scan3A_6 = arith.constant 0 : i32
    %scan3A_7 = arith.constant 0 : i32
    %scan3A_8 = arith.constant 2 : i32
    %scan3A_9 = arith.addi %scan3A_7, %scan3A_8 : i32
    %scan3A_10 = arith.constant 1 : i32
    scf.for %scan3A_19 = %scan3A_7 to %scan3A_9 step %scan3A_10  : i32 {
      %mul3A_20 = arith.constant 1280 : i32
      %mul3A_21 = arith.muli %arg0, %mul3A_20 : i32
      %mul3A_22 = arith.constant 80 : i32
      %mul3A_23 = arith.muli %arg1, %mul3A_22 : i32
      %add3A = arith.addi %mul3A_21, %mul3A_23 : i32
      %mul3A_24 = arith.constant 40 : i32
      %mul3A_25 = arith.muli %scan3A_19, %mul3A_24 : i32
      %add3A_26 = arith.addi %add3A, %mul3A_25 : i32
      "tpu.region"() ({
        %run_scoped3A = tpu.sem_alloc : memref<!tpu.dma_semaphore, #tpu.memory_space<semaphore_mem>>
        %dma_start3A_47 = arith.constant 0 : i32
        %dma_start3A_48 = tpu.memref_slice %arg2[%add3A_26, %dma_start3A_47] : memref<2560x125xi32, #tpu.memory_space<hbm>> -> memref<40x125xi32, #tpu.memory_space<hbm>>
        %dma_start3A_49 = arith.constant 0 : i32
        %dma_start3A_50 = tpu.memref_slice %arg2[%add3A_26, %dma_start3A_49] : memref<2560x125xi32, #tpu.memory_space<hbm>> -> memref<40x125xi32, #tpu.memory_space<hbm>>
        tpu.enqueue_dma source(%dma_start3A_50 : memref<40x125xi32, #tpu.memory_space<hbm>>) target(%arg6 : memref<40x125xi32, #tpu.memory_space<vmem>>) target_semaphore(%run_scoped3A : memref<!tpu.dma_semaphore, #tpu.memory_space<semaphore_mem>>)
        %dma_wait3A = arith.constant 0 : i32
        %dma_wait3A_51 = tpu.memref_slice %arg2[%add3A_26, %dma_wait3A] : memref<2560x125xi32, #tpu.memory_space<hbm>> -> memref<40x125xi32, #tpu.memory_space<hbm>>
        %dma_wait3A_52 = arith.constant 0 : i32
        %dma_wait3A_53 = tpu.memref_slice %arg2[%add3A_26, %dma_wait3A_52] : memref<2560x125xi32, #tpu.memory_space<hbm>> -> memref<40x125xi32, #tpu.memory_space<hbm>>
        tpu.wait_dma2 semaphore(%run_scoped3A : memref<!tpu.dma_semaphore, #tpu.memory_space<semaphore_mem>>) src(%dma_wait3A_53 : memref<40x125xi32, #tpu.memory_space<hbm>>) dst(%arg6 : memref<40x125xi32, #tpu.memory_space<vmem>>)
        tpu.yield
      }) : () -> ()
      %mul3A_27 = arith.constant 80 : i32
      %mul3A_28 = arith.muli %arg1, %mul3A_27 : i32
      %mul3A_29 = arith.constant 40 : i32
      %mul3A_30 = arith.muli %scan3A_19, %mul3A_29 : i32
      %add3A_31 = arith.addi %mul3A_28, %mul3A_30 : i32
      "tpu.region"() ({
        %run_scoped3A = tpu.sem_alloc : memref<!tpu.dma_semaphore, #tpu.memory_space<semaphore_mem>>
        %dma_start3A_47 = arith.constant 0 : i32
        %dma_start3A_48 = tpu.memref_slice %arg3[%add3A_31, %dma_start3A_47] : memref<1280x125xi32, #tpu.memory_space<hbm>> -> memref<40x125xi32, #tpu.memory_space<hbm>>
        %dma_start3A_49 = arith.constant 0 : i32
        %dma_start3A_50 = tpu.memref_slice %arg3[%add3A_31, %dma_start3A_49] : memref<1280x125xi32, #tpu.memory_space<hbm>> -> memref<40x125xi32, #tpu.memory_space<hbm>>
        tpu.enqueue_dma source(%dma_start3A_50 : memref<40x125xi32, #tpu.memory_space<hbm>>) target(%arg7 : memref<40x125xi32, #tpu.memory_space<vmem>>) target_semaphore(%run_scoped3A : memref<!tpu.dma_semaphore, #tpu.memory_space<semaphore_mem>>)
        %dma_wait3A = arith.constant 0 : i32
        %dma_wait3A_51 = tpu.memref_slice %arg3[%add3A_31, %dma_wait3A] : memref<1280x125xi32, #tpu.memory_space<hbm>> -> memref<40x125xi32, #tpu.memory_space<hbm>>
        %dma_wait3A_52 = arith.constant 0 : i32
        %dma_wait3A_53 = tpu.memref_slice %arg3[%add3A_31, %dma_wait3A_52] : memref<1280x125xi32, #tpu.memory_space<hbm>> -> memref<40x125xi32, #tpu.memory_space<hbm>>
        tpu.wait_dma2 semaphore(%run_scoped3A : memref<!tpu.dma_semaphore, #tpu.memory_space<semaphore_mem>>) src(%dma_wait3A_53 : memref<40x125xi32, #tpu.memory_space<hbm>>) dst(%arg7 : memref<40x125xi32, #tpu.memory_space<vmem>>)
        tpu.yield
      }) : () -> ()
      %dma_start3A = arith.constant 0 : i32
      %dma_start3A_32 = arith.constant 0 : i32
      %dma_start3A_33 = arith.constant 0 : i32
      %dma_start3A_34 = tpu.memref_slice %arg8[%dma_start3A_32, %dma_start3A_33] : memref<128x128xf32, #tpu.memory_space<vmem>> -> memref<125x128xf32, #tpu.memory_space<vmem>>
      %dma_start3A_35 = arith.constant 0 : i32
      %dma_start3A_36 = tpu.memref_slice %arg6[%dma_start3A, %dma_start3A_35] : memref<40x125xi32, #tpu.memory_space<vmem>> -> memref<1x125xi32, #tpu.memory_space<vmem>>
      %dma_start3A_37 = tpu.memref_squeeze %dma_start3A_36 : memref<1x125xi32, #tpu.memory_space<vmem>> -> memref<125xi32, #tpu.memory_space<vmem>>
      %dma_start3A_38 = arith.constant 0 : i32
      %dma_start3A_39 = arith.constant 0 : i32
      %dma_start3A_40 = tpu.memref_slice %arg4[%dma_start3A_38, %dma_start3A_39] : memref<20480x128xf32, #tpu.memory_space<hbm>> -> memref<20480x128xf32, #tpu.memory_space<hbm>>
      tpu.enqueue_indirect_dma source(%dma_start3A_40 : memref<20480x128xf32, #tpu.memory_space<hbm>>) target(%dma_start3A_34 : memref<125x128xf32, #tpu.memory_space<vmem>>) offsets(%dma_start3A_37 : memref<125xi32, #tpu.memory_space<vmem>>) semaphore(%arg11 : memref<!tpu.dma_semaphore, #tpu.memory_space<semaphore_mem>>)
      %scan3A_41 = arith.constant 0 : i32
      %scan3A_42 = arith.constant 0 : i32
      %scan3A_43 = arith.constant 20 : i32
      %scan3A_44 = arith.addi %scan3A_42, %scan3A_43 : i32
      %scan3A_45 = arith.constant 1 : i32
      scf.for %scan3A_47 = %scan3A_42 to %scan3A_44 step %scan3A_45  : i32 {
        %mul3A_48 = arith.constant 2 : i32
        %mul3A_49 = arith.muli %mul3A_48, %scan3A_47 : i32
        %add3A_50 = arith.constant 1 : i32
        %add3A_51 = arith.addi %mul3A_49, %add3A_50 : i32
        %dma_start3A_52 = arith.constant 0 : i32
        %dma_start3A_53 = arith.constant 0 : i32
        %dma_start3A_54 = tpu.memref_slice %arg9[%dma_start3A_52, %dma_start3A_53] : memref<128x128xf32, #tpu.memory_space<vmem>> -> memref<125x128xf32, #tpu.memory_space<vmem>>
        %dma_start3A_55 = arith.constant 0 : i32
        %dma_start3A_56 = tpu.memref_slice %arg6[%add3A_51, %dma_start3A_55] : memref<40x125xi32, #tpu.memory_space<vmem>> -> memref<1x125xi32, #tpu.memory_space<vmem>>
        %dma_start3A_57 = tpu.memref_squeeze %dma_start3A_56 : memref<1x125xi32, #tpu.memory_space<vmem>> -> memref<125xi32, #tpu.memory_space<vmem>>
        %dma_start3A_58 = arith.constant 0 : i32
        %dma_start3A_59 = arith.constant 0 : i32
        %dma_start3A_60 = tpu.memref_slice %arg4[%dma_start3A_58, %dma_start3A_59] : memref<20480x128xf32, #tpu.memory_space<hbm>> -> memref<20480x128xf32, #tpu.memory_space<hbm>>
        tpu.enqueue_indirect_dma source(%dma_start3A_60 : memref<20480x128xf32, #tpu.memory_space<hbm>>) target(%dma_start3A_54 : memref<125x128xf32, #tpu.memory_space<vmem>>) offsets(%dma_start3A_57 : memref<125xi32, #tpu.memory_space<vmem>>) semaphore(%arg12 : memref<!tpu.dma_semaphore, #tpu.memory_space<semaphore_mem>>)
        %dma_wait3A = arith.constant 0 : i32
        %dma_wait3A_61 = arith.constant 0 : i32
        %dma_wait3A_62 = tpu.memref_slice %arg8[%dma_wait3A, %dma_wait3A_61] : memref<128x128xf32, #tpu.memory_space<vmem>> -> memref<125x128xf32, #tpu.memory_space<vmem>>
        %dma_wait3A_63 = arith.constant 0 : i32
        %dma_wait3A_64 = tpu.memref_slice %arg6[%mul3A_49, %dma_wait3A_63] : memref<40x125xi32, #tpu.memory_space<vmem>> -> memref<1x125xi32, #tpu.memory_space<vmem>>
        %dma_wait3A_65 = tpu.memref_squeeze %dma_wait3A_64 : memref<1x125xi32, #tpu.memory_space<vmem>> -> memref<125xi32, #tpu.memory_space<vmem>>
        %dma_wait3A_66 = arith.constant 0 : i32
        %dma_wait3A_67 = arith.constant 0 : i32
        %dma_wait3A_68 = tpu.memref_slice %arg4[%dma_wait3A_66, %dma_wait3A_67] : memref<20480x128xf32, #tpu.memory_space<hbm>> -> memref<20480x128xf32, #tpu.memory_space<hbm>>
        tpu.wait_indirect_dma semaphore(%arg11 : memref<!tpu.dma_semaphore, #tpu.memory_space<semaphore_mem>>) src(%dma_wait3A_68 : memref<20480x128xf32, #tpu.memory_space<hbm>>) dst(%dma_wait3A_62 : memref<125x128xf32, #tpu.memory_space<vmem>>)
        "tpu.region"() ({
          %run_scoped3A = tpu.sem_alloc : memref<!tpu.dma_semaphore, #tpu.memory_space<semaphore_mem>>
          %dma_start3A_82 = arith.constant 0 : i32
          %dma_start3A_83 = arith.constant 0 : i32
          %dma_start3A_84 = tpu.memref_slice %arg8[%dma_start3A_82, %dma_start3A_83] : memref<128x128xf32, #tpu.memory_space<vmem>> -> memref<125x128xf32, #tpu.memory_space<vmem>>
          %dma_start3A_85 = arith.constant 0 : i32
          %dma_start3A_86 = tpu.memref_slice %arg7[%mul3A_49, %dma_start3A_85] : memref<40x125xi32, #tpu.memory_space<vmem>> -> memref<1x125xi32, #tpu.memory_space<vmem>>
          %dma_start3A_87 = tpu.memref_squeeze %dma_start3A_86 : memref<1x125xi32, #tpu.memory_space<vmem>> -> memref<125xi32, #tpu.memory_space<vmem>>
          %dma_start3A_88 = arith.constant 0 : i32
          %dma_start3A_89 = arith.constant 0 : i32
          %dma_start3A_90 = tpu.memref_slice %arg10[%dma_start3A_88, %dma_start3A_89] : memref<10240x128xf32, #tpu.memory_space<vmem_shared>> -> memref<10240x128xf32, #tpu.memory_space<vmem_shared>>
          tpu.enqueue_indirect_dma source(%dma_start3A_84 : memref<125x128xf32, #tpu.memory_space<vmem>>) target(%dma_start3A_90 : memref<10240x128xf32, #tpu.memory_space<vmem_shared>>) offsets(%dma_start3A_87 : memref<125xi32, #tpu.memory_space<vmem>>) semaphore(%run_scoped3A : memref<!tpu.dma_semaphore, #tpu.memory_space<semaphore_mem>>) {add = true}
          %dma_wait3A_91 = arith.constant 0 : i32
          %dma_wait3A_92 = arith.constant 0 : i32
          %dma_wait3A_93 = tpu.memref_slice %arg8[%dma_wait3A_91, %dma_wait3A_92] : memref<128x128xf32, #tpu.memory_space<vmem>> -> memref<125x128xf32, #tpu.memory_space<vmem>>
          %dma_wait3A_94 = arith.constant 0 : i32
          %dma_wait3A_95 = tpu.memref_slice %arg7[%mul3A_49, %dma_wait3A_94] : memref<40x125xi32, #tpu.memory_space<vmem>> -> memref<1x125xi32, #tpu.memory_space<vmem>>
          %dma_wait3A_96 = tpu.memref_squeeze %dma_wait3A_95 : memref<1x125xi32, #tpu.memory_space<vmem>> -> memref<125xi32, #tpu.memory_space<vmem>>
          %dma_wait3A_97 = arith.constant 0 : i32
          %dma_wait3A_98 = arith.constant 0 : i32
          %dma_wait3A_99 = tpu.memref_slice %arg10[%dma_wait3A_97, %dma_wait3A_98] : memref<10240x128xf32, #tpu.memory_space<vmem_shared>> -> memref<10240x128xf32, #tpu.memory_space<vmem_shared>>
          tpu.wait_indirect_dma semaphore(%run_scoped3A : memref<!tpu.dma_semaphore, #tpu.memory_space<semaphore_mem>>) src(%dma_wait3A_93 : memref<125x128xf32, #tpu.memory_space<vmem>>) dst(%dma_wait3A_99 : memref<10240x128xf32, #tpu.memory_space<vmem_shared>>)
          tpu.yield
        }) : () -> ()
        %add3A_69 = arith.constant 2 : i32
        %add3A_70 = arith.addi %mul3A_49, %add3A_69 : i32
        %lt3A = arith.constant 40 : i32
        %lt3A_71 = arith.cmpi slt, %add3A_70, %lt3A : i32
        %convert_element_type3A = arith.extui %lt3A_71 : i1 to i32
        %cond3A = arith.constant 0 : i32
        %cond3A_72 = arith.cmpi ne, %convert_element_type3A, %cond3A : i32
        scf.if %cond3A_72 {
          %add3A_82 = arith.constant 2 : i32
          %add3A_83 = arith.addi %mul3A_49, %add3A_82 : i32
          %dma_start3A_84 = arith.constant 0 : i32
          %dma_start3A_85 = arith.constant 0 : i32
          %dma_start3A_86 = tpu.memref_slice %arg8[%dma_start3A_84, %dma_start3A_85] : memref<128x128xf32, #tpu.memory_space<vmem>> -> memref<125x128xf32, #tpu.memory_space<vmem>>
          %dma_start3A_87 = arith.constant 0 : i32
          %dma_start3A_88 = tpu.memref_slice %arg6[%add3A_83, %dma_start3A_87] : memref<40x125xi32, #tpu.memory_space<vmem>> -> memref<1x125xi32, #tpu.memory_space<vmem>>
          %dma_start3A_89 = tpu.memref_squeeze %dma_start3A_88 : memref<1x125xi32, #tpu.memory_space<vmem>> -> memref<125xi32, #tpu.memory_space<vmem>>
          %dma_start3A_90 = arith.constant 0 : i32
          %dma_start3A_91 = arith.constant 0 : i32
          %dma_start3A_92 = tpu.memref_slice %arg4[%dma_start3A_90, %dma_start3A_91] : memref<20480x128xf32, #tpu.memory_space<hbm>> -> memref<20480x128xf32, #tpu.memory_space<hbm>>
          tpu.enqueue_indirect_dma source(%dma_start3A_92 : memref<20480x128xf32, #tpu.memory_space<hbm>>) target(%dma_start3A_86 : memref<125x128xf32, #tpu.memory_space<vmem>>) offsets(%dma_start3A_89 : memref<125xi32, #tpu.memory_space<vmem>>) semaphore(%arg11 : memref<!tpu.dma_semaphore, #tpu.memory_space<semaphore_mem>>)
        } else {
        }
        %dma_wait3A_73 = arith.constant 0 : i32
        %dma_wait3A_74 = arith.constant 0 : i32
        %dma_wait3A_75 = tpu.memref_slice %arg9[%dma_wait3A_73, %dma_wait3A_74] : memref<128x128xf32, #tpu.memory_space<vmem>> -> memref<125x128xf32, #tpu.memory_space<vmem>>
        %dma_wait3A_76 = arith.constant 0 : i32
        %dma_wait3A_77 = tpu.memref_slice %arg6[%add3A_51, %dma_wait3A_76] : memref<40x125xi32, #tpu.memory_space<vmem>> -> memref<1x125xi32, #tpu.memory_space<vmem>>
        %dma_wait3A_78 = tpu.memref_squeeze %dma_wait3A_77 : memref<1x125xi32, #tpu.memory_space<vmem>> -> memref<125xi32, #tpu.memory_space<vmem>>
        %dma_wait3A_79 = arith.constant 0 : i32
        %dma_wait3A_80 = arith.constant 0 : i32
        %dma_wait3A_81 = tpu.memref_slice %arg4[%dma_wait3A_79, %dma_wait3A_80] : memref<20480x128xf32, #tpu.memory_space<hbm>> -> memref<20480x128xf32, #tpu.memory_space<hbm>>
        tpu.wait_indirect_dma semaphore(%arg12 : memref<!tpu.dma_semaphore, #tpu.memory_space<semaphore_mem>>) src(%dma_wait3A_81 : memref<20480x128xf32, #tpu.memory_space<hbm>>) dst(%dma_wait3A_75 : memref<125x128xf32, #tpu.memory_space<vmem>>)
        "tpu.region"() ({
          %run_scoped3A = tpu.sem_alloc : memref<!tpu.dma_semaphore, #tpu.memory_space<semaphore_mem>>
          %dma_start3A_82 = arith.constant 0 : i32
          %dma_start3A_83 = arith.constant 0 : i32
          %dma_start3A_84 = tpu.memref_slice %arg9[%dma_start3A_82, %dma_start3A_83] : memref<128x128xf32, #tpu.memory_space<vmem>> -> memref<125x128xf32, #tpu.memory_space<vmem>>
          %dma_start3A_85 = arith.constant 0 : i32
          %dma_start3A_86 = tpu.memref_slice %arg7[%add3A_51, %dma_start3A_85] : memref<40x125xi32, #tpu.memory_space<vmem>> -> memref<1x125xi32, #tpu.memory_space<vmem>>
          %dma_start3A_87 = tpu.memref_squeeze %dma_start3A_86 : memref<1x125xi32, #tpu.memory_space<vmem>> -> memref<125xi32, #tpu.memory_space<vmem>>
          %dma_start3A_88 = arith.constant 0 : i32
          %dma_start3A_89 = arith.constant 0 : i32
          %dma_start3A_90 = tpu.memref_slice %arg10[%dma_start3A_88, %dma_start3A_89] : memref<10240x128xf32, #tpu.memory_space<vmem_shared>> -> memref<10240x128xf32, #tpu.memory_space<vmem_shared>>
          tpu.enqueue_indirect_dma source(%dma_start3A_84 : memref<125x128xf32, #tpu.memory_space<vmem>>) target(%dma_start3A_90 : memref<10240x128xf32, #tpu.memory_space<vmem_shared>>) offsets(%dma_start3A_87 : memref<125xi32, #tpu.memory_space<vmem>>) semaphore(%run_scoped3A : memref<!tpu.dma_semaphore, #tpu.memory_space<semaphore_mem>>) {add = true}
          %dma_wait3A_91 = arith.constant 0 : i32
          %dma_wait3A_92 = arith.constant 0 : i32
          %dma_wait3A_93 = tpu.memref_slice %arg9[%dma_wait3A_91, %dma_wait3A_92] : memref<128x128xf32, #tpu.memory_space<vmem>> -> memref<125x128xf32, #tpu.memory_space<vmem>>
          %dma_wait3A_94 = arith.constant 0 : i32
          %dma_wait3A_95 = tpu.memref_slice %arg7[%add3A_51, %dma_wait3A_94] : memref<40x125xi32, #tpu.memory_space<vmem>> -> memref<1x125xi32, #tpu.memory_space<vmem>>
          %dma_wait3A_96 = tpu.memref_squeeze %dma_wait3A_95 : memref<1x125xi32, #tpu.memory_space<vmem>> -> memref<125xi32, #tpu.memory_space<vmem>>
          %dma_wait3A_97 = arith.constant 0 : i32
          %dma_wait3A_98 = arith.constant 0 : i32
          %dma_wait3A_99 = tpu.memref_slice %arg10[%dma_wait3A_97, %dma_wait3A_98] : memref<10240x128xf32, #tpu.memory_space<vmem_shared>> -> memref<10240x128xf32, #tpu.memory_space<vmem_shared>>
          tpu.wait_indirect_dma semaphore(%run_scoped3A : memref<!tpu.dma_semaphore, #tpu.memory_space<semaphore_mem>>) src(%dma_wait3A_93 : memref<125x128xf32, #tpu.memory_space<vmem>>) dst(%dma_wait3A_99 : memref<10240x128xf32, #tpu.memory_space<vmem_shared>>)
          tpu.yield
        }) : () -> ()
      }
      %scan3A_46 = arith.constant 20 : i32
    }
    %scan3A_11 = arith.constant 2 : i32
    %barrier3A_12 = arith.constant 0 : index
    tpu.barrier barrier_id(%barrier3A_12)
    %scan3A_13 = arith.constant 0 : i32
    %scan3A_14 = arith.constant 0 : i32
    %scan3A_15 = arith.constant 5 : i32
    %scan3A_16 = arith.addi %scan3A_14, %scan3A_15 : i32
    %scan3A_17 = arith.constant 1 : i32
    scf.for %scan3A_19 = %scan3A_14 to %scan3A_16 step %scan3A_17  : i32 {
      %mul3A_20 = arith.constant 640 : i32
      %mul3A_21 = arith.muli %arg1, %mul3A_20 : i32
      %mul3A_22 = arith.constant 128 : i32
      %mul3A_23 = arith.muli %scan3A_19, %mul3A_22 : i32
      %add3A = arith.addi %mul3A_21, %mul3A_23 : i32
      "tpu.region"() ({
        %run_scoped3A = tpu.sem_alloc : memref<!tpu.dma_semaphore, #tpu.memory_space<semaphore_mem>>
        %dma_start3A = arith.constant 0 : i32
        %dma_start3A_25 = tpu.memref_slice %arg10[%add3A, %dma_start3A] : memref<10240x128xf32, #tpu.memory_space<vmem_shared>> -> memref<128x128xf32, #tpu.memory_space<vmem_shared>>
        %dma_start3A_26 = arith.constant 0 : i32
        %dma_start3A_27 = tpu.memref_slice %arg10[%add3A, %dma_start3A_26] : memref<10240x128xf32, #tpu.memory_space<vmem_shared>> -> memref<128x128xf32, #tpu.memory_space<vmem_shared>>
        tpu.enqueue_dma source(%dma_start3A_27 : memref<128x128xf32, #tpu.memory_space<vmem_shared>>) target(%arg8 : memref<128x128xf32, #tpu.memory_space<vmem>>) target_semaphore(%run_scoped3A : memref<!tpu.dma_semaphore, #tpu.memory_space<semaphore_mem>>)
        %dma_wait3A = arith.constant 0 : i32
        %dma_wait3A_28 = tpu.memref_slice %arg10[%add3A, %dma_wait3A] : memref<10240x128xf32, #tpu.memory_space<vmem_shared>> -> memref<128x128xf32, #tpu.memory_space<vmem_shared>>
        %dma_wait3A_29 = arith.constant 0 : i32
        %dma_wait3A_30 = tpu.memref_slice %arg10[%add3A, %dma_wait3A_29] : memref<10240x128xf32, #tpu.memory_space<vmem_shared>> -> memref<128x128xf32, #tpu.memory_space<vmem_shared>>
        tpu.wait_dma2 semaphore(%run_scoped3A : memref<!tpu.dma_semaphore, #tpu.memory_space<semaphore_mem>>) src(%dma_wait3A_30 : memref<128x128xf32, #tpu.memory_space<vmem_shared>>) dst(%arg8 : memref<128x128xf32, #tpu.memory_space<vmem>>)
        tpu.yield
      }) : () -> ()
      %add3A_24 = arith.addi %mul3A_0, %add3A : i32
      "tpu.region"() ({
        %run_scoped3A = tpu.sem_alloc : memref<!tpu.dma_semaphore, #tpu.memory_space<semaphore_mem>>
        %dma_start3A = arith.constant 0 : i32
        %dma_start3A_25 = tpu.memref_slice %arg5[%add3A_24, %dma_start3A] : memref<20480x128xf32, #tpu.memory_space<hbm>> -> memref<128x128xf32, #tpu.memory_space<hbm>>
        %dma_start3A_26 = arith.constant 0 : i32
        %dma_start3A_27 = tpu.memref_slice %arg5[%add3A_24, %dma_start3A_26] : memref<20480x128xf32, #tpu.memory_space<hbm>> -> memref<128x128xf32, #tpu.memory_space<hbm>>
        tpu.enqueue_dma source(%arg8 : memref<128x128xf32, #tpu.memory_space<vmem>>) target(%dma_start3A_27 : memref<128x128xf32, #tpu.memory_space<hbm>>) target_semaphore(%run_scoped3A : memref<!tpu.dma_semaphore, #tpu.memory_space<semaphore_mem>>)
        %dma_wait3A = arith.constant 0 : i32
        %dma_wait3A_28 = tpu.memref_slice %arg5[%add3A_24, %dma_wait3A] : memref<20480x128xf32, #tpu.memory_space<hbm>> -> memref<128x128xf32, #tpu.memory_space<hbm>>
        %dma_wait3A_29 = arith.constant 0 : i32
        %dma_wait3A_30 = tpu.memref_slice %arg5[%add3A_24, %dma_wait3A_29] : memref<20480x128xf32, #tpu.memory_space<hbm>> -> memref<128x128xf32, #tpu.memory_space<hbm>>
        tpu.wait_dma2 semaphore(%run_scoped3A : memref<!tpu.dma_semaphore, #tpu.memory_space<semaphore_mem>>) src(%arg8 : memref<128x128xf32, #tpu.memory_space<vmem>>) dst(%dma_wait3A_30 : memref<128x128xf32, #tpu.memory_space<hbm>>)
        tpu.yield
      }) : () -> ()
    }
    %scan3A_18 = arith.constant 5 : i32
    return
  }
}

module attributes {stable_mosaic.version = 14 : i64} {
  func.func @_tc_in_body(%arg0: i32, %arg1: memref<1280x256xf32, #tpu.memory_space<vmem>>, %arg2: memref<256x256xf32, #tpu.memory_space<vmem>>, %arg3: memref<1280x2xf32, #tpu.memory_space<vmem>>, %arg4: memref<1280x128xf32, #tpu.memory_space<vmem>>, %arg5: memref<1280x128xf32, #tpu.memory_space<vmem>>) attributes {dimension_semantics = [#tpu.dimension_semantics<arbitrary>], iteration_bounds = array<i64: 8>, scalar_prefetch = 0 : i64, scratch_operands = 0 : i64, tpu.core_type = #tpu.core_type<tc>, window_params = [{transform_indices = @transform_0, window_bounds = array<i64: 1280, 256>}, {pipeline_mode = #tpu.pipeline_mode<synchronous>, transform_indices = @transform_1, window_bounds = array<i64: 256, 256>}, {transform_indices = @transform_2, window_bounds = array<i64: 1280, 2>}, {transform_indices = @transform_3, window_bounds = array<i64: 1280, 128>}, {transform_indices = @transform_4, window_bounds = array<i64: 1280, 128>}]} {
    %get3A = arith.constant 0 : index
    %get3A_0 = arith.constant 0 : index
    %get3A_1 = vector.load %arg3[%get3A, %get3A_0] : memref<1280x2xf32, #tpu.memory_space<vmem>>, vector<1280x2xf32>
    %reduce_sum3A = arith.constant dense<0.000000e+00> : vector<1280xf32>
    %reduce_sum3A_2 = vector.multi_reduction <add>, %get3A_1, %reduce_sum3A [1] : vector<1280x2xf32> to vector<1280xf32>
    %add3A = arith.constant 1.000000e+00 : f32
    %add3A_3 = vector.broadcast %add3A : f32 to vector<1280xf32>
    %add3A_4 = arith.addf %reduce_sum3A_2, %add3A_3 : vector<1280xf32>
    %rsqrt3A = math.rsqrt %add3A_4 : vector<1280xf32>
    %get3A_5 = arith.constant 0 : index
    %get3A_6 = arith.constant 0 : index
    %get3A_7 = vector.load %arg1[%get3A_5, %get3A_6] : memref<1280x256xf32, #tpu.memory_space<vmem>>, vector<1280x256xf32>
    %get3A_8 = arith.constant 0 : index
    %get3A_9 = arith.constant 0 : index
    %get3A_10 = vector.load %arg2[%get3A_8, %get3A_9] : memref<256x256xf32, #tpu.memory_space<vmem>>, vector<256x256xf32>
    %dot_general3A = arith.constant dense<0.000000e+00> : vector<1280x256xf32>
    %dot_general3A_11 = tpu.matmul %get3A_7, %get3A_10, %dot_general3A {dimension_numbers = #tpu.dot_dimension_numbers<[1], [0], [0], [1], [0, 0, 1, 1], [], []>, transpose_lhs_hint = false} : vector<1280x256xf32>, vector<256x256xf32>, vector<1280x256xf32> -> vector<1280x256xf32>
    %broadcast_in_dim3A = vector.shape_cast %rsqrt3A : vector<1280xf32> to vector<1280x1xf32>
    %mul3A = vector.broadcast %broadcast_in_dim3A : vector<1280x1xf32> to vector<1280x256xf32>
    %mul3A_12 = arith.mulf %dot_general3A_11, %mul3A : vector<1280x256xf32>
    %slice3A = vector.extract_strided_slice %mul3A_12 {offsets = [0, 0], sizes = [1280, 128], strides = [1, 1]} : vector<1280x256xf32> to vector<1280x128xf32>
    %swap3A = arith.constant 0 : index
    %swap3A_13 = arith.constant 0 : index
    %swap3A_14 = vector.load %arg4[%swap3A, %swap3A_13] : memref<1280x128xf32, #tpu.memory_space<vmem>>, vector<1280x128xf32>
    tpu.vector_store %arg4[%swap3A, %swap3A_13], %slice3A {strides = array<i32>} : memref<1280x128xf32, #tpu.memory_space<vmem>>, vector<1280x128xf32>,
    %slice3A_15 = vector.extract_strided_slice %mul3A_12 {offsets = [0, 128], sizes = [1280, 128], strides = [1, 1]} : vector<1280x256xf32> to vector<1280x128xf32>
    %swap3A_16 = arith.constant 0 : index
    %swap3A_17 = arith.constant 0 : index
    %swap3A_18 = vector.load %arg5[%swap3A_16, %swap3A_17] : memref<1280x128xf32, #tpu.memory_space<vmem>>, vector<1280x128xf32>
    tpu.vector_store %arg5[%swap3A_16, %swap3A_17], %slice3A_15 {strides = array<i32>} : memref<1280x128xf32, #tpu.memory_space<vmem>>, vector<1280x128xf32>,
    return
  }
  func.func @transform_0(%arg0: i32) -> (i32, i32) {
    %c0_i32 = arith.constant 0 : i32
    %c0_i32_0 = arith.constant 0 : i32
    return %arg0, %c0_i32 : i32, i32
  }
  func.func @transform_1(%arg0: i32) -> (i32, i32) {
    %c0_i32 = arith.constant 0 : i32
    %c0_i32_0 = arith.constant 0 : i32
    %c0_i32_1 = arith.constant 0 : i32
    return %c0_i32, %c0_i32_0 : i32, i32
  }
  func.func @transform_2(%arg0: i32) -> (i32, i32) {
    %c0_i32 = arith.constant 0 : i32
    %c0_i32_0 = arith.constant 0 : i32
    return %arg0, %c0_i32 : i32, i32
  }
  func.func @transform_3(%arg0: i32) -> (i32, i32) {
    %c0_i32 = arith.constant 0 : i32
    %c0_i32_0 = arith.constant 0 : i32
    return %arg0, %c0_i32 : i32, i32
  }
  func.func @transform_4(%arg0: i32) -> (i32, i32) {
    %c0_i32 = arith.constant 0 : i32
    %c0_i32_0 = arith.constant 0 : i32
    return %arg0, %c0_i32 : i32, i32
  }
}

module attributes {stable_mosaic.version = 14 : i64} {
  func.func @_tc_mid_body(%arg0: i32, %arg1: memref<1280x128xf32, #tpu.memory_space<vmem>>, %arg2: memref<1280x128xf32, #tpu.memory_space<vmem>>, %arg3: memref<1280x2xf32, #tpu.memory_space<vmem>>, %arg4: memref<1x256xf32, #tpu.memory_space<vmem>>, %arg5: memref<256x256xf32, #tpu.memory_space<vmem>>, %arg6: memref<1280x256xf32, #tpu.memory_space<vmem>>, %arg7: memref<1280x128xf32, #tpu.memory_space<vmem>>, %arg8: memref<1280x128xf32, #tpu.memory_space<vmem>>) attributes {dimension_semantics = [#tpu.dimension_semantics<arbitrary>], iteration_bounds = array<i64: 8>, scalar_prefetch = 0 : i64, scratch_operands = 0 : i64, tpu.core_type = #tpu.core_type<tc>, window_params = [{transform_indices = @transform_0, window_bounds = array<i64: 1280, 128>}, {transform_indices = @transform_1, window_bounds = array<i64: 1280, 128>}, {transform_indices = @transform_2, window_bounds = array<i64: 1280, 2>}, {pipeline_mode = #tpu.pipeline_mode<synchronous>, transform_indices = @transform_3, window_bounds = array<i64: 1, 256>}, {pipeline_mode = #tpu.pipeline_mode<synchronous>, transform_indices = @transform_4, window_bounds = array<i64: 256, 256>}, {transform_indices = @transform_5, window_bounds = array<i64: 1280, 256>}, {transform_indices = @transform_6, window_bounds = array<i64: 1280, 128>}, {transform_indices = @transform_7, window_bounds = array<i64: 1280, 128>}]} {
    %get3A = arith.constant 0 : index
    %get3A_0 = arith.constant 0 : index
    %get3A_1 = vector.load %arg3[%get3A, %get3A_0] : memref<1280x2xf32, #tpu.memory_space<vmem>>, vector<1280x2xf32>
    %reduce_sum3A = arith.constant dense<0.000000e+00> : vector<1280xf32>
    %reduce_sum3A_2 = vector.multi_reduction <add>, %get3A_1, %reduce_sum3A [1] : vector<1280x2xf32> to vector<1280xf32>
    %add3A = arith.constant 1.000000e+00 : f32
    %add3A_3 = vector.broadcast %add3A : f32 to vector<1280xf32>
    %add3A_4 = arith.addf %reduce_sum3A_2, %add3A_3 : vector<1280xf32>
    %rsqrt3A = math.rsqrt %add3A_4 : vector<1280xf32>
    %get3A_5 = arith.constant 0 : index
    %get3A_6 = arith.constant 0 : index
    %get3A_7 = vector.load %arg1[%get3A_5, %get3A_6] : memref<1280x128xf32, #tpu.memory_space<vmem>>, vector<1280x128xf32>
    %get3A_8 = arith.constant 0 : index
    %get3A_9 = arith.constant 0 : index
    %get3A_10 = vector.load %arg2[%get3A_8, %get3A_9] : memref<1280x128xf32, #tpu.memory_space<vmem>>, vector<1280x128xf32>
    %concatenate3A = tpu.concatenate %get3A_7, %get3A_10 in 1 : vector<1280x128xf32>, vector<1280x128xf32> -> vector<1280x256xf32>
    %broadcast_in_dim3A = vector.shape_cast %rsqrt3A : vector<1280xf32> to vector<1280x1xf32>
    %mul3A = vector.broadcast %broadcast_in_dim3A : vector<1280x1xf32> to vector<1280x256xf32>
    %mul3A_11 = arith.mulf %concatenate3A, %mul3A : vector<1280x256xf32>
    %get3A_12 = arith.constant 0 : index
    %get3A_13 = arith.constant 0 : index
    %get3A_14 = vector.load %arg4[%get3A_12, %get3A_13] : memref<1x256xf32, #tpu.memory_space<vmem>>, vector<1x256xf32>
    %get3A_15 = vector.shape_cast %get3A_14 : vector<1x256xf32> to vector<256xf32>
    %broadcast_in_dim3A_16 = vector.shape_cast %get3A_15 : vector<256xf32> to vector<1x256xf32>
    %add3A_17 = vector.broadcast %broadcast_in_dim3A_16 : vector<1x256xf32> to vector<1280x256xf32>
    %add3A_18 = arith.addf %mul3A_11, %add3A_17 : vector<1280x256xf32>
    %max3A = arith.constant 0.000000e+00 : f32
    %max3A_19 = vector.broadcast %max3A : f32 to vector<1280x256xf32>
    %max3A_20 = arith.maximumf %add3A_18, %max3A_19 : vector<1280x256xf32>
    %swap3A = arith.constant 0 : index
    %swap3A_21 = arith.constant 0 : index
    %swap3A_22 = vector.load %arg6[%swap3A, %swap3A_21] : memref<1280x256xf32, #tpu.memory_space<vmem>>, vector<1280x256xf32>
    tpu.vector_store %arg6[%swap3A, %swap3A_21], %max3A_20 {strides = array<i32>} : memref<1280x256xf32, #tpu.memory_space<vmem>>, vector<1280x256xf32>,
    %get3A_23 = arith.constant 0 : index
    %get3A_24 = arith.constant 0 : index
    %get3A_25 = vector.load %arg5[%get3A_23, %get3A_24] : memref<256x256xf32, #tpu.memory_space<vmem>>, vector<256x256xf32>
    %dot_general3A = arith.constant dense<0.000000e+00> : vector<1280x256xf32>
    %dot_general3A_26 = tpu.matmul %max3A_20, %get3A_25, %dot_general3A {dimension_numbers = #tpu.dot_dimension_numbers<[1], [0], [0], [1], [0, 0, 1, 1], [], []>, transpose_lhs_hint = false} : vector<1280x256xf32>, vector<256x256xf32>, vector<1280x256xf32> -> vector<1280x256xf32>
    %broadcast_in_dim3A_27 = vector.shape_cast %rsqrt3A : vector<1280xf32> to vector<1280x1xf32>
    %mul3A_28 = vector.broadcast %broadcast_in_dim3A_27 : vector<1280x1xf32> to vector<1280x256xf32>
    %mul3A_29 = arith.mulf %dot_general3A_26, %mul3A_28 : vector<1280x256xf32>
    %slice3A = vector.extract_strided_slice %mul3A_29 {offsets = [0, 0], sizes = [1280, 128], strides = [1, 1]} : vector<1280x256xf32> to vector<1280x128xf32>
    %swap3A_30 = arith.constant 0 : index
    %swap3A_31 = arith.constant 0 : index
    %swap3A_32 = vector.load %arg7[%swap3A_30, %swap3A_31] : memref<1280x128xf32, #tpu.memory_space<vmem>>, vector<1280x128xf32>
    tpu.vector_store %arg7[%swap3A_30, %swap3A_31], %slice3A {strides = array<i32>} : memref<1280x128xf32, #tpu.memory_space<vmem>>, vector<1280x128xf32>,
    %slice3A_33 = vector.extract_strided_slice %mul3A_29 {offsets = [0, 128], sizes = [1280, 128], strides = [1, 1]} : vector<1280x256xf32> to vector<1280x128xf32>
    %swap3A_34 = arith.constant 0 : index
    %swap3A_35 = arith.constant 0 : index
    %swap3A_36 = vector.load %arg8[%swap3A_34, %swap3A_35] : memref<1280x128xf32, #tpu.memory_space<vmem>>, vector<1280x128xf32>
    tpu.vector_store %arg8[%swap3A_34, %swap3A_35], %slice3A_33 {strides = array<i32>} : memref<1280x128xf32, #tpu.memory_space<vmem>>, vector<1280x128xf32>,
    return
  }
  func.func @transform_0(%arg0: i32) -> (i32, i32) {
    %add3A = arith.constant 0 : i32
    %add3A_0 = arith.addi %add3A, %arg0 : i32
    %c0_i32 = arith.constant 0 : i32
    %c0_i32_1 = arith.constant 0 : i32
    return %add3A_0, %c0_i32 : i32, i32
  }
  func.func @transform_1(%arg0: i32) -> (i32, i32) {
    %add3A = arith.constant 8 : i32
    %add3A_0 = arith.addi %add3A, %arg0 : i32
    %c0_i32 = arith.constant 0 : i32
    %c0_i32_1 = arith.constant 0 : i32
    return %add3A_0, %c0_i32 : i32, i32
  }
  func.func @transform_2(%arg0: i32) -> (i32, i32) {
    %c0_i32 = arith.constant 0 : i32
    %c0_i32_0 = arith.constant 0 : i32
    return %arg0, %c0_i32 : i32, i32
  }
  func.func @transform_3(%arg0: i32) -> (i32, i32) {
    %c0_i32 = arith.constant 0 : i32
    %c0_i32_0 = arith.constant 0 : i32
    %c0_i32_1 = arith.constant 0 : i32
    return %c0_i32, %c0_i32_0 : i32, i32
  }
  func.func @transform_4(%arg0: i32) -> (i32, i32) {
    %c0_i32 = arith.constant 0 : i32
    %c0_i32_0 = arith.constant 0 : i32
    %c0_i32_1 = arith.constant 0 : i32
    return %c0_i32, %c0_i32_0 : i32, i32
  }
  func.func @transform_5(%arg0: i32) -> (i32, i32) {
    %c0_i32 = arith.constant 0 : i32
    %c0_i32_0 = arith.constant 0 : i32
    return %arg0, %c0_i32 : i32, i32
  }
  func.func @transform_6(%arg0: i32) -> (i32, i32) {
    %c0_i32 = arith.constant 0 : i32
    %c0_i32_0 = arith.constant 0 : i32
    return %arg0, %c0_i32 : i32, i32
  }
  func.func @transform_7(%arg0: i32) -> (i32, i32) {
    %c0_i32 = arith.constant 0 : i32
    %c0_i32_0 = arith.constant 0 : i32
    return %arg0, %c0_i32 : i32, i32
  }
}

module attributes {stable_mosaic.version = 14 : i64} {
  func.func @_tc_out_body(%arg0: i32, %arg1: memref<1280x128xf32, #tpu.memory_space<vmem>>, %arg2: memref<1280x128xf32, #tpu.memory_space<vmem>>, %arg3: memref<1280x2xf32, #tpu.memory_space<vmem>>, %arg4: memref<1x256xf32, #tpu.memory_space<vmem>>, %arg5: memref<1280x256xf32, #tpu.memory_space<vmem>>, %arg6: memref<512x40xf32, #tpu.memory_space<vmem>>, %arg7: memref<1x40xf32, #tpu.memory_space<vmem>>, %arg8: memref<1280x40xf32, #tpu.memory_space<vmem>>) attributes {dimension_semantics = [#tpu.dimension_semantics<arbitrary>], iteration_bounds = array<i64: 8>, scalar_prefetch = 0 : i64, scratch_operands = 0 : i64, tpu.core_type = #tpu.core_type<tc>, window_params = [{transform_indices = @transform_0, window_bounds = array<i64: 1280, 128>}, {transform_indices = @transform_1, window_bounds = array<i64: 1280, 128>}, {transform_indices = @transform_2, window_bounds = array<i64: 1280, 2>}, {pipeline_mode = #tpu.pipeline_mode<synchronous>, transform_indices = @transform_3, window_bounds = array<i64: 1, 256>}, {transform_indices = @transform_4, window_bounds = array<i64: 1280, 256>}, {pipeline_mode = #tpu.pipeline_mode<synchronous>, transform_indices = @transform_5, window_bounds = array<i64: 512, 40>}, {pipeline_mode = #tpu.pipeline_mode<synchronous>, transform_indices = @transform_6, window_bounds = array<i64: 1, 40>}, {transform_indices = @transform_7, window_bounds = array<i64: 1280, 40>}]} {
    %get3A = arith.constant 0 : index
    %get3A_0 = arith.constant 0 : index
    %get3A_1 = vector.load %arg3[%get3A, %get3A_0] : memref<1280x2xf32, #tpu.memory_space<vmem>>, vector<1280x2xf32>
    %reduce_sum3A = arith.constant dense<0.000000e+00> : vector<1280xf32>
    %reduce_sum3A_2 = vector.multi_reduction <add>, %get3A_1, %reduce_sum3A [1] : vector<1280x2xf32> to vector<1280xf32>
    %add3A = arith.constant 1.000000e+00 : f32
    %add3A_3 = vector.broadcast %add3A : f32 to vector<1280xf32>
    %add3A_4 = arith.addf %reduce_sum3A_2, %add3A_3 : vector<1280xf32>
    %rsqrt3A = math.rsqrt %add3A_4 : vector<1280xf32>
    %get3A_5 = arith.constant 0 : index
    %get3A_6 = arith.constant 0 : index
    %get3A_7 = vector.load %arg1[%get3A_5, %get3A_6] : memref<1280x128xf32, #tpu.memory_space<vmem>>, vector<1280x128xf32>
    %get3A_8 = arith.constant 0 : index
    %get3A_9 = arith.constant 0 : index
    %get3A_10 = vector.load %arg2[%get3A_8, %get3A_9] : memref<1280x128xf32, #tpu.memory_space<vmem>>, vector<1280x128xf32>
    %concatenate3A = tpu.concatenate %get3A_7, %get3A_10 in 1 : vector<1280x128xf32>, vector<1280x128xf32> -> vector<1280x256xf32>
    %broadcast_in_dim3A = vector.shape_cast %rsqrt3A : vector<1280xf32> to vector<1280x1xf32>
    %mul3A = vector.broadcast %broadcast_in_dim3A : vector<1280x1xf32> to vector<1280x256xf32>
    %mul3A_11 = arith.mulf %concatenate3A, %mul3A : vector<1280x256xf32>
    %get3A_12 = arith.constant 0 : index
    %get3A_13 = arith.constant 0 : index
    %get3A_14 = vector.load %arg4[%get3A_12, %get3A_13] : memref<1x256xf32, #tpu.memory_space<vmem>>, vector<1x256xf32>
    %get3A_15 = vector.shape_cast %get3A_14 : vector<1x256xf32> to vector<256xf32>
    %broadcast_in_dim3A_16 = vector.shape_cast %get3A_15 : vector<256xf32> to vector<1x256xf32>
    %add3A_17 = vector.broadcast %broadcast_in_dim3A_16 : vector<1x256xf32> to vector<1280x256xf32>
    %add3A_18 = arith.addf %mul3A_11, %add3A_17 : vector<1280x256xf32>
    %max3A = arith.constant 0.000000e+00 : f32
    %max3A_19 = vector.broadcast %max3A : f32 to vector<1280x256xf32>
    %max3A_20 = arith.maximumf %add3A_18, %max3A_19 : vector<1280x256xf32>
    %get3A_21 = arith.constant 0 : index
    %get3A_22 = arith.constant 0 : index
    %get3A_23 = vector.load %arg5[%get3A_21, %get3A_22] : memref<1280x256xf32, #tpu.memory_space<vmem>>, vector<1280x256xf32>
    %get3A_24 = arith.constant 0 : index
    %get3A_25 = arith.constant 0 : index
    %get3A_26 = vector.load %arg6[%get3A_24, %get3A_25] : memref<512x40xf32, #tpu.memory_space<vmem>>, vector<256x40xf32>
    %dot_general3A = arith.constant dense<0.000000e+00> : vector<1280x40xf32>
    %dot_general3A_27 = tpu.matmul %get3A_23, %get3A_26, %dot_general3A {dimension_numbers = #tpu.dot_dimension_numbers<[1], [0], [0], [1], [0, 0, 1, 1], [], []>, transpose_lhs_hint = false} : vector<1280x256xf32>, vector<256x40xf32>, vector<1280x40xf32> -> vector<1280x40xf32>
    %get3A_28 = arith.constant 256 : index
    %get3A_29 = arith.constant 0 : index
    %get3A_30 = vector.load %arg6[%get3A_28, %get3A_29] : memref<512x40xf32, #tpu.memory_space<vmem>>, vector<256x40xf32>
    %dot_general3A_31 = arith.constant dense<0.000000e+00> : vector<1280x40xf32>
    %dot_general3A_32 = tpu.matmul %max3A_20, %get3A_30, %dot_general3A_31 {dimension_numbers = #tpu.dot_dimension_numbers<[1], [0], [0], [1], [0, 0, 1, 1], [], []>, transpose_lhs_hint = false} : vector<1280x256xf32>, vector<256x40xf32>, vector<1280x40xf32> -> vector<1280x40xf32>
    %add3A_33 = arith.addf %dot_general3A_27, %dot_general3A_32 : vector<1280x40xf32>
    %get3A_34 = arith.constant 0 : index
    %get3A_35 = arith.constant 0 : index
    %get3A_36 = vector.load %arg7[%get3A_34, %get3A_35] : memref<1x40xf32, #tpu.memory_space<vmem>>, vector<1x40xf32>
    %get3A_37 = vector.shape_cast %get3A_36 : vector<1x40xf32> to vector<40xf32>
    %broadcast_in_dim3A_38 = vector.shape_cast %get3A_37 : vector<40xf32> to vector<1x40xf32>
    %add3A_39 = vector.broadcast %broadcast_in_dim3A_38 : vector<1x40xf32> to vector<1280x40xf32>
    %add3A_40 = arith.addf %add3A_33, %add3A_39 : vector<1280x40xf32>
    %reduce_max3A = arith.constant dense<0xFF800000> : vector<1280xf32>
    %reduce_max3A_41 = vector.multi_reduction <maximumf>, %add3A_40, %reduce_max3A [1] : vector<1280x40xf32> to vector<1280xf32>
    %broadcast_in_dim3A_42 = vector.shape_cast %reduce_max3A_41 : vector<1280xf32> to vector<1280x1xf32>
    %sub3A = vector.broadcast %broadcast_in_dim3A_42 : vector<1280x1xf32> to vector<1280x40xf32>
    %sub3A_43 = arith.subf %add3A_40, %sub3A : vector<1280x40xf32>
    %exp3A = math.exp %sub3A_43 : vector<1280x40xf32>
    %reduce_sum3A_44 = arith.constant dense<0.000000e+00> : vector<1280xf32>
    %reduce_sum3A_45 = vector.multi_reduction <add>, %exp3A, %reduce_sum3A_44 [1] : vector<1280x40xf32> to vector<1280xf32>
    %broadcast_in_dim3A_46 = vector.shape_cast %reduce_sum3A_45 : vector<1280xf32> to vector<1280x1xf32>
    %log3A = math.log %broadcast_in_dim3A_46 : vector<1280x1xf32>
    %sub3A_47 = vector.broadcast %log3A : vector<1280x1xf32> to vector<1280x40xf32>
    %sub3A_48 = arith.subf %sub3A_43, %sub3A_47 : vector<1280x40xf32>
    %swap3A = arith.constant 0 : index
    %swap3A_49 = arith.constant 0 : index
    %swap3A_50 = vector.load %arg8[%swap3A, %swap3A_49] : memref<1280x40xf32, #tpu.memory_space<vmem>>, vector<1280x40xf32>
    tpu.vector_store %arg8[%swap3A, %swap3A_49], %sub3A_48 {strides = array<i32>} : memref<1280x40xf32, #tpu.memory_space<vmem>>, vector<1280x40xf32>,
    return
  }
  func.func @transform_0(%arg0: i32) -> (i32, i32) {
    %add3A = arith.constant 0 : i32
    %add3A_0 = arith.addi %add3A, %arg0 : i32
    %c0_i32 = arith.constant 0 : i32
    %c0_i32_1 = arith.constant 0 : i32
    return %add3A_0, %c0_i32 : i32, i32
  }
  func.func @transform_1(%arg0: i32) -> (i32, i32) {
    %add3A = arith.constant 8 : i32
    %add3A_0 = arith.addi %add3A, %arg0 : i32
    %c0_i32 = arith.constant 0 : i32
    %c0_i32_1 = arith.constant 0 : i32
    return %add3A_0, %c0_i32 : i32, i32
  }
  func.func @transform_2(%arg0: i32) -> (i32, i32) {
    %c0_i32 = arith.constant 0 : i32
    %c0_i32_0 = arith.constant 0 : i32
    return %arg0, %c0_i32 : i32, i32
  }
  func.func @transform_3(%arg0: i32) -> (i32, i32) {
    %c0_i32 = arith.constant 0 : i32
    %c0_i32_0 = arith.constant 0 : i32
    %c0_i32_1 = arith.constant 0 : i32
    return %c0_i32, %c0_i32_0 : i32, i32
  }
  func.func @transform_4(%arg0: i32) -> (i32, i32) {
    %c0_i32 = arith.constant 0 : i32
    %c0_i32_0 = arith.constant 0 : i32
    return %arg0, %c0_i32 : i32, i32
  }
  func.func @transform_5(%arg0: i32) -> (i32, i32) {
    %c0_i32 = arith.constant 0 : i32
    %c0_i32_0 = arith.constant 0 : i32
    %c0_i32_1 = arith.constant 0 : i32
    return %c0_i32, %c0_i32_0 : i32, i32
  }
  func.func @transform_6(%arg0: i32) -> (i32, i32) {
    %c0_i32 = arith.constant 0 : i32
    %c0_i32_0 = arith.constant 0 : i32
    %c0_i32_1 = arith.constant 0 : i32
    return %c0_i32, %c0_i32_0 : i32, i32
  }
  func.func @transform_7(%arg0: i32) -> (i32, i32) {
    %c0_i32 = arith.constant 0 : i32
    %c0_i32_0 = arith.constant 0 : i32
    return %arg0, %c0_i32 : i32, i32
  }
}

</mosaic_0001>

<sc_bundles>
// kernel: kernel.11.cloned.1.call-start
scs
__scs_entry_jumppad:
0x0: {  	(pc) =	sbr.rel $0x88, $3  }
0x1: {  	(tag) =	ssettag $0x0;
	lr =	simm.s32 $0x1  }
0x2: {  	[smem:$0x3F99] =	sst lr;
	_ =	strace $0xD0000000  }
0x3: {  	_ = 	snop  }
0x4: {  	_ = 	snop  }
0x5: {  	_ = 	snop  }
0x6: {  	_ = 	snop  }
0x7: {  	_ = 	snop  }
__scs_overlays_trampoline_lowered:
0x8: {  	[smem:$0x3FA8] =	sst s0  }
0x9: {  	[smem:$0x3FA9] =	sst s1  }
0xa: {  	[smem:$0x3FAA] =	sst s2  }
0xb: {  	[smem:$0x3FAB] =	sst s3  }
0xc: {  	[smem:$0x3FAC] =	sst s4  }
0xd: {  	[smem:$0x3FAD] =	sst s5  }
0xe: {  	[smem:$0x3FAE] =	sst s6  }
0xf: {  	[smem:$0x3FAF] =	sst s7  }
0x10: {  	[smem:$0x3FB0] =	sst s8  }
0x11: {  	[smem:$0x3FB1] =	sst s9;
	s0 =	simm.s32 @!p0 $0x0  }
0x12: {  	s1 =	sld [smem:$0x3F97];
	s0 =	simm.s32 @p0 $0x1  }
0x13: {  	[smem:$0x3FB2] =	sst s0;
	s0 =	simm.s32 @!p1 $0x0  }
0x14: {  	s2 =	sld [smem:$0x3F96];
	s0 =	simm.s32 @p1 $0x1  }
0x15: {  	[smem:$0x3FB3] =	sst s0;
	s0 =	simm.s32 @!p2 $0x0  }
0x16: {  	s3 =	sld [smem:$0x3FDB];
	s0 =	simm.s32 @p2 $0x1  }
0x17: {  	s4 =	simm.s32 $0x1BF5;
	[smem:$0x3FB5] =	sst s0  }
0x18: {  	s0 =	sld [smem:$0x3F98];
	_ =	swait.ge [sflag:s4], $0x0  }
0x19: {  	s7 =	sld [smem:$0x3F99]  }
0x1a: {  	s8 =	sadd.s32 $0xFFFFE003, lr  }
0x1b: {  	s9 =	sadd.s32 $0xFFFFFEF7, lr;
	s5 =	simm.s32 $0xFFFFFFFF;
	p2 =	slt.u32 s8, $0xFFFFF086  }
0x1c: {  	p1 =	slt.u32 s9, $0xF7A;
	s5 =	simm.s32 @!p2 $0x0  }
0x1d: {  	s5 =	simm.s32 @p1 $0x1;
	p0 =	seq.s32 s7, s2  }
0x1e: {  	s7 =	smul.u32 @!p0 $0xF7A, s2;
	p2 =	seq.s32 @!p0 s5, $0x0  }
0x1f: {  	s9 =	smul.u32 $0xF7A, s1;
	s8 =	simm.s32 @!p0 $0x1BF5;
	p2 =	por !p2, p0  }
0x20: {  	[sflag:s8] =	ssyncset.s32 @!p0 $0xFFFFF086;
	s6 =	sadd.s32 @!p0 s3, s7;
	s7 =	simm.s32 @!p0 $0x108  }
0x21: {  	s3 =	sadd.s32 s3, s9;
	s6 =	sadd.s32 @!p0 $0x88, s6;
	s7 =	simm.s32 @p2 $0x1082  }
0x22: {  	[simem:s7], [sflag:s8] =	dma.local @!p0 [hbm:s6], $0xF7A  }
0x23: {  	s9 =	sor.u32 $0xD0000000, s2;
	s6 =	simm.s32 $0x108;
	_ =	swait.ge @!p0 [sflag:s8], $0x0  }
0x24: {  	s3 =	sadd.s32 $0x88, s3;
	s6 =	simm.s32 @!p1 $0x1082;
	[sflag:s4] =	ssyncset.s32 $0xFFFFF086  }
0x25: {  	[simem:s6], [sflag:s4] =	dma.local [hbm:s3], $0xF7A  }
0x26: {  	[smem:$0x3F99] =	sst s1;
	(tag) =	ssettag s2;
	_ =	strace s9  }
0x27: {  	s1 =	sld [smem:$0x3FA9]  }
0x28: {  	s2 =	sld [smem:$0x3FAA]  }
0x29: {  	s4 =	sld [smem:$0x3FAC]  }
0x2a: {  	p0 =	seq.s32 s5, $0x0;
	s5 =	sld [smem:$0x3FAD]  }
0x2b: {  	s6 =	sld [smem:$0x3FAE]  }
0x2c: {  	s7 =	sld [smem:$0x3FAF]  }
0x2d: {  	s3 =	simm.s32 $0x108;
	s8 =	sld [smem:$0x3FB0]  }
0x2e: {  	s3 =	simm.s32 @!p0 $0x1082;
	s9 =	sld [smem:$0x3FB1]  }
0x2f: {  	lr =	sadd.s32 s0, s3;
	s0 =	sld [smem:$0x3FA8]  }
0x30: {  	s3 =	sld [smem:$0x3FAB]  }
0x31: {  	[smem:$0x3FB4] =	sst s10  }
0x32: {  	s10 =	sld [smem:$0x3FB2];
	_ =	sdelay $0x3  }
0x33: {  	p0 =	seq.s32 s10, $0x1;
	s10 =	sld [smem:$0x3FB4];
	_ =	sdelay $0x3  }
0x34: {  	[smem:$0x3FB4] =	sst s10  }
0x35: {  	s10 =	sld [smem:$0x3FB3];
	_ =	sdelay $0x3  }
0x36: {  	p1 =	seq.s32 s10, $0x1;
	s10 =	sld [smem:$0x3FB4];
	_ =	sdelay $0x3  }
0x37: {  	[smem:$0x3FB4] =	sst s10  }
0x38: {  	s10 =	sld [smem:$0x3FB5]  }
0x39: {  	_ = 	snop;
	(pc) =	sbr.ind lr, $3  }
0x3a: {  	_ = 	snop  }
0x3b: {  	_ = 	snop  }
0x3c: {  	p2 =	seq.s32 s10, $0x1;
	s10 =	sld [smem:$0x3FB4]  }
0x3d: {  	_ =	shalt  }
0x3e: {  	_ =	shalt  }
0x3f: {  	_ =	shalt  }
0x40: {  	_ =	shalt  }
0x41: {  	_ =	shalt  }
0x42: {  	_ =	shalt  }
0x43: {  	_ =	shalt  }
0x44: {  	_ =	shalt  }
0x45: {  	_ =	shalt  }
0x46: {  	_ =	shalt  }
0x47: {  	_ =	shalt  }
0x48: {  	_ =	shalt  }
0x49: {  	_ =	shalt  }
0x4a: {  	_ =	shalt  }
0x4b: {  	_ =	shalt  }
0x4c: {  	_ =	shalt  }
0x4d: {  	_ =	shalt  }
0x4e: {  	_ =	shalt  }
0x4f: {  	_ =	shalt  }
0x50: {  	_ =	shalt  }
0x51: {  	_ =	shalt  }
0x52: {  	_ =	shalt  }
0x53: {  	_ =	shalt  }
0x54: {  	_ =	shalt  }
0x55: {  	_ =	shalt  }
0x56: {  	_ =	shalt  }
0x57: {  	_ =	shalt  }
0x58: {  	_ =	shalt  }
0x59: {  	_ =	shalt  }
0x5a: {  	_ =	shalt  }
0x5b: {  	_ =	shalt  }
0x5c: {  	_ =	shalt  }
0x5d: {  	_ =	shalt  }
0x5e: {  	_ =	shalt  }
0x5f: {  	_ =	shalt  }
0x60: {  	_ =	shalt  }
0x61: {  	_ =	shalt  }
0x62: {  	_ =	shalt  }
0x63: {  	_ =	shalt  }
0x64: {  	_ =	shalt  }
0x65: {  	_ =	shalt  }
0x66: {  	_ =	shalt  }
0x67: {  	_ =	shalt  }
0x68: {  	_ =	shalt  }
0x69: {  	_ =	shalt  }
0x6a: {  	_ =	shalt  }
0x6b: {  	_ =	shalt  }
0x6c: {  	_ =	shalt  }
0x6d: {  	_ =	shalt  }
0x6e: {  	_ =	shalt  }
0x6f: {  	_ =	shalt  }
0x70: {  	_ =	shalt  }
0x71: {  	_ =	shalt  }
0x72: {  	_ =	shalt  }
0x73: {  	_ =	shalt  }
0x74: {  	_ =	shalt  }
0x75: {  	_ =	shalt  }
0x76: {  	_ =	shalt  }
0x77: {  	_ =	shalt  }
0x78: {  	_ =	shalt  }
0x79: {  	_ =	shalt  }
0x7a: {  	_ =	shalt  }
0x7b: {  	_ =	shalt  }
0x7c: {  	_ =	shalt  }
0x7d: {  	_ =	shalt  }
0x7e: {  	_ =	shalt  }
0x7f: {  	_ =	shalt  }
0x80: {  	_ =	shalt  }
0x81: {  	_ =	shalt  }
0x82: {  	_ =	shalt  }
0x83: {  	_ =	shalt  }
0x84: {  	_ =	shalt  }
0x85: {  	_ =	shalt  }
0x86: {  	_ =	shalt  }
0x87: {  	_ =	shalt  }
.Lfunc_end0:
.L_simem_size_0:
called_computation.1_lowered:
.L_overlay_start_0:
0x88: {  	s2 =	sld [smem:$0x3FD9]  }
0x89: {  	s3 =	sld [smem:$0x3FFE];
	_ =	sdelay $0x1  }
0x8a: {  	s1 =	srdreg.scid  }
0x8b: {  	s0 =	sand.u32 $0x1, s1  }
0x8c: {  	s17 =	sshll.u32 s0, $0xA;
	s2 =	sadd.s32 s3, s2  }
0x8d: {  	s2 =	sadd.s32 s2, s17  }
0x8e: {  	[smem:$0x3FC0] =	sst s2  }
0x8f: {  	_ = 	snop  }
0x90: {  	s2 =	sld [smem:$0x3FD0];
	(tm) =	ssettm $0x1  }
0x91: {  	s18 =	sld [smem:$0x3FFB];
	_ =	sdelay $0x3  }
0x92: {  	_ =	strace s18  }
0x93: {  	s3 =	sld [smem:$0x3FFC];
	_ =	sdelay $0x3  }
0x94: {  	_ =	strace s3  }
0x95: {  	s3 =	sld [smem:$0x3FFD];
	_ =	sdelay $0x3  }
0x96: {  	_ =	strace s3  }
0x97: {  	_ =	strace $0x8FFFFFFF  }
0x98: {  	s19 =	sld [smem:$0x3FDB];
	_ =	sdelay $0x1  }
0x99: {  	s4 =	simm.s32 $_scs_section_size  }
0x9a: {  	s5 =	simm.s32 $_size__tile_overlayer_lowered;
	s6 =	simm.s32 $_tile_overlayer_lowered  }
0x9b: {  	s22 =	simm.s32 $0x1BFF;
	s21 =	sshll.u32 s6, $0x1;
	s3 =	sadd.s32 s4, s19  }
0x9c: {  	s7 =	simm.s32 $0x0;
	s20 =	sshll.u32 s5, $0x1;
	s5 =	sadd.s32 s21, s3  }
0x9d: {  	[timem:s7], [sflag:s22] =	dma.local [hbm:s5], s20  }
0x9e: {  	_ =	swait.ge [sflag:s22], s20  }
0x9f: {  	s4 =	ssub.s32 $0x0, s20;
	[sflag:s22] =	ssyncset.done $0x0  }
0xa0: {  	[sflag:s22] =	ssyncadd.s32 s4;
	_ =	sdelay $0x1  }
0xa1: {  	s23 =	simm.s32 $0x1B8B  }
0xa2: {  	_ =	swait.ge [sflag:s23], $0x1  }
0xa3: {  	[sflag:s23] =	ssyncset.done $0x0  }
0xa4: {  	s25 =	simm.s32 $0x1B8E;
	s24 =	sld [smem:$0x3FFE];
	[sflag:s23] =	ssyncadd.s32 $0xFFFFFFFF  }
0xa5: {  	s26 =	simm.s32 $execute0_lowered;
	[smem:$0x3FD2] =	sst s25  }
0xa6: {  	s5 =	sshll.u32 s26, $0x1;
	_ =	strace $0x80000049;
	[dreg:$0x1] =	wrdreg $0xFFFFFFFF  }
0xa7: {  	s28 =	simm.s32 $_size_execute0_lowered;
	s3 =	sadd.s32 s3, s5;
	[dreg:$0x0] =	wrdreg $0x0  }
0xa8: {  	s5 =	sshll.u32 s28, $0x1;
	[dreg:$0x2] =	wrdreg s3  }
0xa9: {  	[dreg:$0x3] =	wrdreg s5  }
0xaa: {  	[dreg:$0x4] =	wrdreg $0xC0  }
0xab: {  	_ =	task [dreg:s7], $0x5FFFF  }
0xac: {  	[dreg:$0x1] =	wrdreg $0xFFFFFFFF  }
0xad: {  	[dreg:$0x0] =	wrdreg $0x60  }
0xae: {  	[dreg:$0x2] =	wrdreg s2  }
0xaf: {  	[dreg:$0x3] =	wrdreg s24  }
0xb0: {  	[dreg:$0x4] =	wrdreg $0xA8000  }
0xb1: {  	[dreg:$0x5] =	wrdreg $0x9  }
0xb2: {  	_ =	task.clear_ibuf [dreg:s7], $0x6FFFF;
	_ =	strace $0x90000049  }
0xb3: {  	s29 =	simm.s32 $0x9;
	_ =	strace $0x8000004B  }
0xb4: {  	_ =	swait.ge [sflag:s29], $0x1  }
0xb5: {  	[sflag:s29] =	ssyncadd.s32 $0xFFFFFFFF  }
0xb6: {  	_ =	strace $0x9000004B  }
0xb7: {  	_ =	sfence  }
0xb8: {  	s30 =	sld [smem:$0x0];
	_ =	sdelay $0x2  }
0xb9: {  	s31 =	sshll.u32 s1, $0xD;
	s1 =	sshrl.u32 s1, $0x2  }
0xba: {  	s3 =	sand.u32 $0x4000, s31;
	s1 =	sadd.s32 s1, s30  }
0xbb: {  	s0 =	sor.u32 s3, s0;
	s1 =	sshll.u32 s1, $0x11  }
0xbc: {  	s0 =	sor.u32 s1, s0  }
0xbd: {  	s0 =	sadd.s32 $0x8F2B, s0  }
0xbe: {  	[sflag:s0] =	ssyncadd.remote.s32 $0x1  }
0xbf: {  	_ =	sfence.sel $0xFFFF  }
0xc0: {  	[dreg:$0x0] =	wrdreg $0xFFFFFFFF;
	(pc) =	sbr.abs _section_cstart, $3  }
0xc1: {  	[dreg:$0x1] =	wrdreg $0xFFFFFFFF  }
0xc2: {  	_ =	task.clear_ibuf [dreg:s7], $0x2FFFF;
	_ =	strace $0x9FFFFFFF  }
0xc3: {  	(tm) =	ssettm $0x7FFFFFFF  }
tec
execute0_lowered:
.L_overlay_start_1:
0x0: {  	(tag) =	ssettag $0x1  }
0x1: {  	s0 =	rddreg [dreg:$0x0]  }
0x2: {  	s1 =	rddreg [dreg:$0x1];
	s12 =	stileid.u32  }
0x3: {  	s2 =	rddreg [dreg:$0x2];
	s3 =	simm.s32 $0x0;
	s4 =	smul.u32 $0x500, s12  }
0x4: {  	s5 =	srdreg.scid;
	s28 =	simm.s32 $0x1400;
	s6 =	smul.u32 $0x280, s12  }
0x5: {  	s29 =	simm.s32 $0x7D;
	s30 =	simm.s32 $0x6800;
	s10 =	smul.u32 $0x50000, s12  }
0x6: {  	[smem:$0x7FF] =	sst s3;
	s5 =	sand.u32 $0x1, s5;
	s12 =	smul.u32 $0x50, s12  }
0x7: {  	s31 =	simm.s32 $0x1;
	_ =	strace $0x8000004A;
	s8 =	smul.u32 $0x500, s5  }
0x8: {  	s9 =	ssub.s32 $0x2, s5;
	s13 =	smul.u32 $0x2800, s5;
	s7 =	sadd.s32 s4, s1  }
0x9: {  	s4 =	sadd.s32 $0x7000, s1;
	s1 =	sadd.s32 $0x57000, s1;
	s11 =	sshrl.u32 s9, $0x1  }
0xa: {  	s22 =	sshrl.u32 s10, $0x2;
	s23 =	sadd.s32 $0x80, s6;
	s16 =	sadd.s32 $0x100, s6  }
0xb: {  	s14 =	sadd.s32 $0x180, s6;
	s9 =	ssub.s32 s9, s11;
	s8 =	sadd.s32 s8, s12  }
0xc: {  	s5 =	sadd.s32 s22, s2;
	s24 =	sadd.s32 s13, s6;
	s25 =	sadd.s32 s13, s23  }
0xd: {  	s20 =	sadd.s32 s13, s16;
	s10 =	sshll.u32 s23, $0x7;
	s22 =	sadd.s32 s13, s14  }
0xe: {  	s11 =	sshll.u32 s16, $0x7;
	s6 =	sadd.s32 $0x200, s6;
	s14 =	sshll.u32 s14, $0x7  }
0xf: {  	s9 =	smax.u32 s9, $0x1;
	s26 =	sshll.u32 s24, $0x4;
	s17 =	sshll.u32 s25, $0x4  }
0x10: {  	s18 =	sshll.u32 s20, $0x4;
	s11 =	sadd.s32 s11, s2;
	s13 =	sadd.s32 s13, s6  }
0x11: {  	s6 =	sshll.u32 s6, $0x7;
	[dreg:$0x4] =	wrdreg s9;
	s9 =	sadd.s32 s4, s26  }
0x12: {  	s19 =	sadd.s32 s4, s17;
	s21 =	sadd.s32 s4, s18;
	s24 =	sadd.s32 s1, s26  }
0x13: {  	s25 =	sadd.s32 s1, s17;
	s26 =	sshll.u32 s8, $0x4;
	[dreg:$0x5] =	wrdreg s9  }
0x14: {  	s18 =	sadd.s32 s1, s18;
	s8 =	simm.s32 $0x0;
	[dreg:$0x6] =	wrdreg s19  }
0x15: {  	s9 =	sadd.s32 s10, s2;
	[dreg:$0x7] =	wrdreg s21;
	s10 =	sshll.u32 s22, $0x4  }
0x16: {  	s21 =	sshll.u32 s13, $0x4;
	s13 =	sadd.s32 s14, s2;
	[dreg:$0xa] =	wrdreg s24  }
0x17: {  	[dreg:$0xb] =	wrdreg s25;
	s20 =	sadd.s32 s0, s26;
	s22 =	sadd.s32 $0x2000, s7  }
0x18: {  	s24 =	sadd.s32 $0x2280, s7;
	s25 =	simm.s32 $0x2800;
	s26 =	simm.s32 $0x3  }
0x19: {  	s0 =	simm.s32 $0x2;
	s7 =	simm.s32 $0x2780;
	s15 =	sadd.s32 s4, s10  }
0x1a: {  	s23 =	sadd.s32 s4, s21;
	s19 =	sadd.s32 s1, s10;
	[dreg:$0x8] =	wrdreg s15  }
0x1b: {  	s21 =	sadd.s32 s1, s21;
	s1 =	simm.s32 $0x1380;
	[dreg:$0x9] =	wrdreg s23  }
0x1c: {  	s15 =	sadd.s32 s6, s2;
	s23 =	sadd.s32 $0x280, s20;
	s6 =	simm.s32 $0x2700  }
.LBB2_1:
0x1d: {  	s10 =	rddreg [dreg:$0x5]  }
0x1e: {  	[tilespmem:s25], [sflag:$0x3] =	stream.linear.gather [hbm4b:s10+s3], $0x4000, $0x38;
	[tilespmem:$0x1E800] =	vst v63  }
0x1f: {  	_ =	swait.ge [sflag:s26], $0x4000  }
0x20: {  	[sflag:s26] =	ssyncset.done $0x0  }
0x21: {  	[sflag:s26] =	ssyncadd.s32 $0xFFFFC000  }
0x22: {  	[spmem:s5] =	stream.linear.scatter [tilespmem:s25], [sflag:$0x3], $0x4000, $0x38;
	[tilespmem:$0x1E800] =	vst v63  }
0x23: {  	_ =	swait.ge [sflag:s26], $0x4000  }
0x24: {  	[sflag:s26] =	ssyncset.done $0x0  }
0x25: {  	s12 =	rddreg [dreg:$0x6];
	[sflag:s26] =	ssyncadd.s32 $0xFFFFC000  }
0x26: {  	[tilespmem:s25], [sflag:$0x3] =	stream.linear.gather [hbm4b:s12+s3], $0x4000, $0x38;
	[tilespmem:$0x1E800] =	vst v63  }
0x27: {  	_ =	swait.ge [sflag:s26], $0x4000  }
0x28: {  	[sflag:s26] =	ssyncset.done $0x0  }
0x29: {  	[sflag:s26] =	ssyncadd.s32 $0xFFFFC000  }
0x2a: {  	[spmem:s9] =	stream.linear.scatter [tilespmem:s25], [sflag:$0x3], $0x4000, $0x38;
	[tilespmem:$0x1E800] =	vst v63  }
0x2b: {  	_ =	swait.ge [sflag:s26], $0x4000  }
0x2c: {  	[sflag:s26] =	ssyncset.done $0x0  }
0x2d: {  	s14 =	rddreg [dreg:$0x7];
	[sflag:s26] =	ssyncadd.s32 $0xFFFFC000  }
0x2e: {  	[tilespmem:s25], [sflag:$0x3] =	stream.linear.gather [hbm4b:s14+s3], $0x4000, $0x38;
	[tilespmem:$0x1E800] =	vst v63  }
0x2f: {  	_ =	swait.ge [sflag:s26], $0x4000  }
0x30: {  	[sflag:s26] =	ssyncset.done $0x0  }
0x31: {  	[sflag:s26] =	ssyncadd.s32 $0xFFFFC000  }
0x32: {  	[spmem:s11] =	stream.linear.scatter [tilespmem:s25], [sflag:$0x3], $0x4000, $0x38;
	[tilespmem:$0x1E800] =	vst v63  }
0x33: {  	_ =	swait.ge [sflag:s26], $0x4000  }
0x34: {  	[sflag:s26] =	ssyncset.done $0x0  }
0x35: {  	s16 =	rddreg [dreg:$0x8];
	[sflag:s26] =	ssyncadd.s32 $0xFFFFC000  }
0x36: {  	[tilespmem:s25], [sflag:$0x3] =	stream.linear.gather [hbm4b:s16+s3], $0x4000, $0x38;
	[tilespmem:$0x1E800] =	vst v63  }
0x37: {  	_ =	swait.ge [sflag:s26], $0x4000  }
0x38: {  	[sflag:s26] =	ssyncset.done $0x0  }
0x39: {  	[sflag:s26] =	ssyncadd.s32 $0xFFFFC000  }
0x3a: {  	[spmem:s13] =	stream.linear.scatter [tilespmem:s25], [sflag:$0x3], $0x4000, $0x38;
	[tilespmem:$0x1E800] =	vst v63  }
0x3b: {  	_ =	swait.ge [sflag:s26], $0x4000  }
0x3c: {  	[sflag:s26] =	ssyncset.done $0x0  }
0x3d: {  	s17 =	rddreg [dreg:$0x9];
	[sflag:s26] =	ssyncadd.s32 $0xFFFFC000  }
0x3e: {  	[tilespmem:s25], [sflag:$0x3] =	stream.linear.gather [hbm4b:s17+s3], $0x4000, $0x38;
	[tilespmem:$0x1E800] =	vst v63  }
0x3f: {  	_ =	swait.ge [sflag:s26], $0x4000  }
0x40: {  	[sflag:s26] =	ssyncset.done $0x0  }
0x41: {  	[sflag:s26] =	ssyncadd.s32 $0xFFFFC000  }
0x42: {  	[spmem:s15] =	stream.linear.scatter [tilespmem:s25], [sflag:$0x3], $0x4000, $0x38;
	[tilespmem:$0x1E800] =	vst v63  }
0x43: {  	_ =	swait.ge [sflag:s26], $0x4000  }
0x44: {  	[sflag:s26] =	ssyncset.done $0x0  }
0x45: {  	[sflag:s26] =	ssyncadd.s32 $0xFFFFC000  }
0x46: {  	[bflag:$0x0] =	sbarrier.arrive $0xFFFF  }
0x47: {  	[tilespmem:s3], [sflag:$0x3] =	stream.linear.gather [hbm4b:s20+s3], $0x1400, $0x38;
	[tilespmem:$0x1E800] =	vst v63  }
0x48: {  	_ =	swait.ge [sflag:s26], $0x1400  }
0x49: {  	[sflag:s26] =	ssyncset.done $0x0  }
0x4a: {  	[sflag:s26] =	ssyncadd.s32 $0xFFFFEC00  }
0x4b: {  	[tilespmem:s28], [sflag:$0x3] =	stream.linear.gather [hbm4b:s22+s3], $0x1400, $0x38;
	[tilespmem:$0x1E800] =	vst v63  }
0x4c: {  	_ =	swait.ge [sflag:s26], $0x1400  }
0x4d: {  	[sflag:s26] =	ssyncset.done $0x0  }
0x4e: {  	[sflag:s26] =	ssyncadd.s32 $0xFFFFEC00  }
0x4f: {  	[tilespmem:s25], [sflag:$0x1] =	stream.indirect.gather [hbm4b:s4+s29], $0x80, s3, s29, $0xb8;
	[tilespmem:$0x1E800] =	vst v63  }
0x50: {  	s12 =	simm.s32 $0x80  }
0x51: {  	[tilespmem:s30], [sflag:$0x2] =	stream.indirect.gather [hbm4b:s4+s29], $0x80, s12, s29, $0xb8;
	[tilespmem:$0x1E800] =	vst v63  }
0x52: {  	_ =	swait.ge [sflag:s31], $0x3E80  }
0x53: {  	[sflag:s31] =	ssyncset.done $0x0  }
0x54: {  	s14 =	simm.s32 $0x1400;
	[sflag:s31] =	ssyncadd.s32 $0xFFFFC180  }
0x55: {  	[spmem:s2] =	stream.indirect.scatter.add.f32 [tilespmem:s25], [sflag:$0x3], $0x80, s14, s29, $0xb8;
	[tilespmem:$0x1E800] =	vst v63  }
0x56: {  	_ =	swait.ge [sflag:s26], $0x3E80  }
0x57: {  	[sflag:s26] =	ssyncset.done $0x0  }
0x58: {  	s16 =	simm.s32 $0x100;
	[sflag:s26] =	ssyncadd.s32 $0xFFFFC180  }
0x59: {  	[tilespmem:s25], [sflag:$0x1] =	stream.indirect.gather [hbm4b:s4+s29], $0x80, s16, s29, $0xb8;
	[tilespmem:$0x1E800] =	vst v63  }
0x5a: {  	_ =	swait.ge [sflag:s0], $0x3E80  }
0x5b: {  	[sflag:s0] =	ssyncset.done $0x0  }
0x5c: {  	s17 =	simm.s32 $0x1480;
	[sflag:s0] =	ssyncadd.s32 $0xFFFFC180  }
0x5d: {  	[spmem:s2] =	stream.indirect.scatter.add.f32 [tilespmem:s30], [sflag:$0x3], $0x80, s17, s29, $0xb8;
	[tilespmem:$0x1E800] =	vst v63  }
0x5e: {  	_ =	swait.ge [sflag:s26], $0x3E80  }
0x5f: {  	s10 =	simm.s32 $0x100;
	s12 =	simm.s32 $0x800;
	[sflag:s26] =	ssyncset.done $0x0  }
.LBB2_2:
0x60: {  	s14 =	sadd.s32 $0x80, s10  }
0x61: {  	[sflag:s26] =	ssyncadd.s32 $0xFFFFC180;
	s16 =	smov.u32 s12;
	s17 =	sadd.s32 $0x400, s12  }
0x62: {  	[tilespmem:s30], [sflag:$0x2] =	stream.indirect.gather [hbm4b:s4+s29], $0x80, s14, s29, $0xb8;
	[tilespmem:$0x1E800] =	vst v63  }
0x63: {  	p0 =	sne.s32 s12, $0x4800;
	_ =	swait.ge [sflag:s31], $0x3E80  }
0x64: {  	[sflag:s31] =	ssyncset.done $0x0  }
0x65: {  	s12 =	sadd.s32 $0x1400, s10;
	[sflag:s31] =	ssyncadd.s32 $0xFFFFC180  }
0x66: {  	[spmem:s2] =	stream.indirect.scatter.add.f32 [tilespmem:s25], [sflag:$0x3], $0x80, s12, s29, $0xb8;
	[tilespmem:$0x1E800] =	vst v63  }
0x67: {  	_ =	swait.ge [sflag:s26], $0x3E80  }
0x68: {  	[sflag:s26] =	ssyncset.done $0x0  }
0x69: {  	s12 =	sadd.s32 $0x100, s10;
	[sflag:s26] =	ssyncadd.s32 $0xFFFFC180  }
0x6a: {  	[tilespmem:s25], [sflag:$0x1] =	stream.indirect.gather [hbm4b:s4+s29], $0x80, s12, s29, $0xb8;
	[tilespmem:$0x1E800] =	vst v63  }
0x6b: {  	_ =	swait.ge [sflag:s0], $0x3E80  }
.Ltmp0:
0x6c: {  	[sflag:s0] =	ssyncset.done $0x0;
	(pc) =	sbr.rel @p0 .LBB2_2-.Ltmp0, $4  }
0x6d: {  	s10 =	sadd.s32 $0x1480, s10;
	[sflag:s0] =	ssyncadd.s32 $0xFFFFC180  }
0x6e: {  	[spmem:s2] =	stream.indirect.scatter.add.f32 [tilespmem:s30], [sflag:$0x3], $0x80, s10, s29, $0xb8;
	[tilespmem:$0x1E800] =	vst v63  }
0x6f: {  	_ =	swait.ge [sflag:s26], $0x3E80  }
0x70: {  	s12 =	smov.u32 s17;
	s10 =	sshra.s32 s16, $0x2;
	[sflag:s26] =	ssyncset.done $0x0  }
0x71: {  	s12 =	sadd.s32 $0x80, s10;
	[sflag:s26] =	ssyncadd.s32 $0xFFFFC180  }
0x72: {  	[tilespmem:s30], [sflag:$0x2] =	stream.indirect.gather [hbm4b:s4+s29], $0x80, s12, s29, $0xb8;
	[tilespmem:$0x1E800] =	vst v63  }
0x73: {  	_ =	swait.ge [sflag:s31], $0x3E80  }
0x74: {  	[sflag:s31] =	ssyncset.done $0x0  }
0x75: {  	s17 =	sadd.s32 $0x1400, s10;
	[sflag:s31] =	ssyncadd.s32 $0xFFFFC180  }
0x76: {  	[spmem:s2] =	stream.indirect.scatter.add.f32 [tilespmem:s25], [sflag:$0x3], $0x80, s17, s29, $0xb8;
	[tilespmem:$0x1E800] =	vst v63  }
0x77: {  	_ =	swait.ge [sflag:s26], $0x3E80  }
0x78: {  	[sflag:s26] =	ssyncset.done $0x0  }
0x79: {  	s14 =	sadd.s32 $0x100, s10;
	[sflag:s26] =	ssyncadd.s32 $0xFFFFC180  }
0x7a: {  	[tilespmem:s25], [sflag:$0x1] =	stream.indirect.gather [hbm4b:s4+s29], $0x80, s14, s29, $0xb8;
	[tilespmem:$0x1E800] =	vst v63  }
0x7b: {  	_ =	swait.ge [sflag:s0], $0x3E80  }
0x7c: {  	[sflag:s0] =	ssyncset.done $0x0  }
0x7d: {  	s16 =	sadd.s32 $0x1480, s10;
	[sflag:s0] =	ssyncadd.s32 $0xFFFFC180  }
0x7e: {  	[spmem:s2] =	stream.indirect.scatter.add.f32 [tilespmem:s30], [sflag:$0x3], $0x80, s16, s29, $0xb8;
	[tilespmem:$0x1E800] =	vst v63  }
0x7f: {  	_ =	swait.ge [sflag:s26], $0x3E80  }
0x80: {  	[sflag:s26] =	ssyncset.done $0x0  }
0x81: {  	[sflag:s26] =	ssyncadd.s32 $0xFFFFC180  }
0x82: {  	[tilespmem:s30], [sflag:$0x2] =	stream.indirect.gather [hbm4b:s4+s29], $0x80, s1, s29, $0xb8;
	[tilespmem:$0x1E800] =	vst v63  }
0x83: {  	_ =	swait.ge [sflag:s31], $0x3E80  }
0x84: {  	[sflag:s31] =	ssyncset.done $0x0  }
0x85: {  	[sflag:s31] =	ssyncadd.s32 $0xFFFFC180  }
0x86: {  	[spmem:s2] =	stream.indirect.scatter.add.f32 [tilespmem:s25], [sflag:$0x3], $0x80, s6, s29, $0xb8;
	[tilespmem:$0x1E800] =	vst v63  }
0x87: {  	_ =	swait.ge [sflag:s26], $0x3E80  }
0x88: {  	[sflag:s26] =	ssyncset.done $0x0  }
0x89: {  	[sflag:s26] =	ssyncadd.s32 $0xFFFFC180  }
0x8a: {  	_ =	swait.ge [sflag:s0], $0x3E80  }
0x8b: {  	[sflag:s0] =	ssyncset.done $0x0  }
0x8c: {  	[sflag:s0] =	ssyncadd.s32 $0xFFFFC180  }
0x8d: {  	[spmem:s2] =	stream.indirect.scatter.add.f32 [tilespmem:s30], [sflag:$0x3], $0x80, s7, s29, $0xb8;
	[tilespmem:$0x1E800] =	vst v63  }
0x8e: {  	_ =	swait.ge [sflag:s26], $0x3E80  }
0x8f: {  	[sflag:s26] =	ssyncset.done $0x0  }
0x90: {  	s17 =	simm.s32 $0x0;
	[sflag:s26] =	ssyncadd.s32 $0xFFFFC180  }
0x91: {  	[tilespmem:s17], [sflag:$0x3] =	stream.linear.gather [hbm4b:s23+s17], $0x1400, $0x38;
	[tilespmem:$0x1E800] =	vst v63  }
0x92: {  	_ =	swait.ge [sflag:s26], $0x1400  }
0x93: {  	[sflag:s26] =	ssyncset.done $0x0  }
0x94: {  	[sflag:s26] =	ssyncadd.s32 $0xFFFFEC00  }
0x95: {  	[tilespmem:s28], [sflag:$0x3] =	stream.linear.gather [hbm4b:s24+s17], $0x1400, $0x38;
	[tilespmem:$0x1E800] =	vst v63  }
0x96: {  	_ =	swait.ge [sflag:s26], $0x1400  }
0x97: {  	[sflag:s26] =	ssyncset.done $0x0  }
0x98: {  	[sflag:s26] =	ssyncadd.s32 $0xFFFFEC00  }
0x99: {  	[tilespmem:s25], [sflag:$0x1] =	stream.indirect.gather [hbm4b:s4+s29], $0x80, s17, s29, $0xb8;
	[tilespmem:$0x1E800] =	vst v63  }
0x9a: {  	s12 =	simm.s32 $0x80  }
0x9b: {  	[tilespmem:s30], [sflag:$0x2] =	stream.indirect.gather [hbm4b:s4+s29], $0x80, s12, s29, $0xb8;
	[tilespmem:$0x1E800] =	vst v63  }
0x9c: {  	_ =	swait.ge [sflag:s31], $0x3E80  }
0x9d: {  	[sflag:s31] =	ssyncset.done $0x0  }
0x9e: {  	s14 =	simm.s32 $0x1400;
	[sflag:s31] =	ssyncadd.s32 $0xFFFFC180  }
0x9f: {  	[spmem:s2] =	stream.indirect.scatter.add.f32 [tilespmem:s25], [sflag:$0x3], $0x80, s14, s29, $0xb8;
	[tilespmem:$0x1E800] =	vst v63  }
0xa0: {  	_ =	swait.ge [sflag:s26], $0x3E80  }
0xa1: {  	[sflag:s26] =	ssyncset.done $0x0  }
0xa2: {  	s16 =	simm.s32 $0x100;
	[sflag:s26] =	ssyncadd.s32 $0xFFFFC180  }
0xa3: {  	[tilespmem:s25], [sflag:$0x1] =	stream.indirect.gather [hbm4b:s4+s29], $0x80, s16, s29, $0xb8;
	[tilespmem:$0x1E800] =	vst v63  }
0xa4: {  	_ =	swait.ge [sflag:s0], $0x3E80  }
0xa5: {  	[sflag:s0] =	ssyncset.done $0x0  }
0xa6: {  	s17 =	simm.s32 $0x1480;
	[sflag:s0] =	ssyncadd.s32 $0xFFFFC180  }
0xa7: {  	[spmem:s2] =	stream.indirect.scatter.add.f32 [tilespmem:s30], [sflag:$0x3], $0x80, s17, s29, $0xb8;
	[tilespmem:$0x1E800] =	vst v63  }
0xa8: {  	_ =	swait.ge [sflag:s26], $0x3E80  }
0xa9: {  	s10 =	simm.s32 $0x100;
	s12 =	simm.s32 $0x800;
	[sflag:s26] =	ssyncset.done $0x0  }
.LBB2_4:
0xaa: {  	s14 =	sadd.s32 $0x80, s10  }
0xab: {  	[sflag:s26] =	ssyncadd.s32 $0xFFFFC180;
	s16 =	smov.u32 s12;
	s17 =	sadd.s32 $0x400, s12  }
0xac: {  	[tilespmem:s30], [sflag:$0x2] =	stream.indirect.gather [hbm4b:s4+s29], $0x80, s14, s29, $0xb8;
	[tilespmem:$0x1E800] =	vst v63  }
0xad: {  	p0 =	sne.s32 s12, $0x4800;
	_ =	swait.ge [sflag:s31], $0x3E80  }
0xae: {  	[sflag:s31] =	ssyncset.done $0x0  }
0xaf: {  	s12 =	sadd.s32 $0x1400, s10;
	[sflag:s31] =	ssyncadd.s32 $0xFFFFC180  }
0xb0: {  	[spmem:s2] =	stream.indirect.scatter.add.f32 [tilespmem:s25], [sflag:$0x3], $0x80, s12, s29, $0xb8;
	[tilespmem:$0x1E800] =	vst v63  }
0xb1: {  	_ =	swait.ge [sflag:s26], $0x3E80  }
0xb2: {  	[sflag:s26] =	ssyncset.done $0x0  }
0xb3: {  	s12 =	sadd.s32 $0x100, s10;
	[sflag:s26] =	ssyncadd.s32 $0xFFFFC180  }
0xb4: {  	[tilespmem:s25], [sflag:$0x1] =	stream.indirect.gather [hbm4b:s4+s29], $0x80, s12, s29, $0xb8;
	[tilespmem:$0x1E800] =	vst v63  }
0xb5: {  	_ =	swait.ge [sflag:s0], $0x3E80  }
.Ltmp1:
0xb6: {  	[sflag:s0] =	ssyncset.done $0x0;
	(pc) =	sbr.rel @p0 .LBB2_4-.Ltmp1, $4  }
0xb7: {  	s10 =	sadd.s32 $0x1480, s10;
	[sflag:s0] =	ssyncadd.s32 $0xFFFFC180  }
0xb8: {  	[spmem:s2] =	stream.indirect.scatter.add.f32 [tilespmem:s30], [sflag:$0x3], $0x80, s10, s29, $0xb8;
	[tilespmem:$0x1E800] =	vst v63  }
0xb9: {  	_ =	swait.ge [sflag:s26], $0x3E80  }
0xba: {  	s12 =	smov.u32 s17;
	s10 =	sshra.s32 s16, $0x2;
	[sflag:s26] =	ssyncset.done $0x0  }
0xbb: {  	s12 =	sadd.s32 $0x80, s10;
	[sflag:s26] =	ssyncadd.s32 $0xFFFFC180  }
0xbc: {  	[tilespmem:s30], [sflag:$0x2] =	stream.indirect.gather [hbm4b:s4+s29], $0x80, s12, s29, $0xb8;
	[tilespmem:$0x1E800] =	vst v63  }
0xbd: {  	_ =	swait.ge [sflag:s31], $0x3E80  }
0xbe: {  	[sflag:s31] =	ssyncset.done $0x0  }
0xbf: {  	s16 =	sadd.s32 $0x1400, s10;
	[sflag:s31] =	ssyncadd.s32 $0xFFFFC180  }
0xc0: {  	[spmem:s2] =	stream.indirect.scatter.add.f32 [tilespmem:s25], [sflag:$0x3], $0x80, s16, s29, $0xb8;
	[tilespmem:$0x1E800] =	vst v63  }
0xc1: {  	_ =	swait.ge [sflag:s26], $0x3E80  }
0xc2: {  	[sflag:s26] =	ssyncset.done $0x0  }
0xc3: {  	s17 =	sadd.s32 $0x100, s10;
	[sflag:s26] =	ssyncadd.s32 $0xFFFFC180  }
0xc4: {  	[tilespmem:s25], [sflag:$0x1] =	stream.indirect.gather [hbm4b:s4+s29], $0x80, s17, s29, $0xb8;
	[tilespmem:$0x1E800] =	vst v63  }
0xc5: {  	_ =	swait.ge [sflag:s0], $0x3E80  }
0xc6: {  	[sflag:s0] =	ssyncset.done $0x0  }
0xc7: {  	s12 =	sadd.s32 $0x1480, s10;
	[sflag:s0] =	ssyncadd.s32 $0xFFFFC180  }
0xc8: {  	[spmem:s2] =	stream.indirect.scatter.add.f32 [tilespmem:s30], [sflag:$0x3], $0x80, s12, s29, $0xb8;
	[tilespmem:$0x1E800] =	vst v63  }
0xc9: {  	_ =	swait.ge [sflag:s26], $0x3E80  }
0xca: {  	[sflag:s26] =	ssyncset.done $0x0  }
0xcb: {  	[sflag:s26] =	ssyncadd.s32 $0xFFFFC180  }
0xcc: {  	[tilespmem:s30], [sflag:$0x2] =	stream.indirect.gather [hbm4b:s4+s29], $0x80, s1, s29, $0xb8;
	[tilespmem:$0x1E800] =	vst v63  }
0xcd: {  	_ =	swait.ge [sflag:s31], $0x3E80  }
0xce: {  	[sflag:s31] =	ssyncset.done $0x0  }
0xcf: {  	[sflag:s31] =	ssyncadd.s32 $0xFFFFC180  }
0xd0: {  	[spmem:s2] =	stream.indirect.scatter.add.f32 [tilespmem:s25], [sflag:$0x3], $0x80, s6, s29, $0xb8;
	[tilespmem:$0x1E800] =	vst v63  }
0xd1: {  	_ =	swait.ge [sflag:s26], $0x3E80  }
0xd2: {  	[sflag:s26] =	ssyncset.done $0x0  }
0xd3: {  	[sflag:s26] =	ssyncadd.s32 $0xFFFFC180  }
0xd4: {  	_ =	swait.ge [sflag:s0], $0x3E80  }
0xd5: {  	[sflag:s0] =	ssyncset.done $0x0  }
0xd6: {  	[sflag:s0] =	ssyncadd.s32 $0xFFFFC180  }
0xd7: {  	[spmem:s2] =	stream.indirect.scatter.add.f32 [tilespmem:s30], [sflag:$0x3], $0x80, s7, s29, $0xb8;
	[tilespmem:$0x1E800] =	vst v63  }
0xd8: {  	_ =	swait.ge [sflag:s26], $0x3E80  }
0xd9: {  	[sflag:s26] =	ssyncset.done $0x0  }
0xda: {  	[sflag:s26] =	ssyncadd.s32 $0xFFFFC180  }
0xdb: {  	[bflag:$0x0] =	sbarrier.arrive $0xFFFF  }
0xdc: {  	[tilespmem:s25], [sflag:$0x3] =	stream.linear.gather [spmem:s5], $0x4000, $0x38;
	[tilespmem:$0x1E800] =	vst v63  }
0xdd: {  	_ =	swait.ge [sflag:s26], $0x4000  }
0xde: {  	[sflag:s26] =	ssyncset.done $0x0  }
0xdf: {  	s14 =	rddreg [dreg:$0xa];
	[sflag:s26] =	ssyncadd.s32 $0xFFFFC000  }
0xe0: {  	[hbm4b:s14+s3] =	stream.linear.scatter [tilespmem:s25], [sflag:$0x3], $0x4000, $0x38;
	[tilespmem:$0x1E800] =	vst v63  }
0xe1: {  	_ =	swait.ge [sflag:s26], $0x4000  }
0xe2: {  	[sflag:s26] =	ssyncset.done $0x0  }
0xe3: {  	[sflag:s26] =	ssyncadd.s32 $0xFFFFC000  }
0xe4: {  	[tilespmem:s25], [sflag:$0x3] =	stream.linear.gather [spmem:s9], $0x4000, $0x38;
	[tilespmem:$0x1E800] =	vst v63  }
0xe5: {  	_ =	swait.ge [sflag:s26], $0x4000  }
0xe6: {  	[sflag:s26] =	ssyncset.done $0x0  }
0xe7: {  	s16 =	rddreg [dreg:$0xb];
	[sflag:s26] =	ssyncadd.s32 $0xFFFFC000  }
0xe8: {  	[hbm4b:s16+s3] =	stream.linear.scatter [tilespmem:s25], [sflag:$0x3], $0x4000, $0x38;
	[tilespmem:$0x1E800] =	vst v63  }
0xe9: {  	_ =	swait.ge [sflag:s26], $0x4000  }
0xea: {  	[sflag:s26] =	ssyncset.done $0x0  }
0xeb: {  	[sflag:s26] =	ssyncadd.s32 $0xFFFFC000  }
0xec: {  	[tilespmem:s25], [sflag:$0x3] =	stream.linear.gather [spmem:s11], $0x4000, $0x38;
	[tilespmem:$0x1E800] =	vst v63  }
0xed: {  	_ =	swait.ge [sflag:s26], $0x4000  }
0xee: {  	[sflag:s26] =	ssyncset.done $0x0  }
0xef: {  	[sflag:s26] =	ssyncadd.s32 $0xFFFFC000  }
0xf0: {  	[hbm4b:s18+s3] =	stream.linear.scatter [tilespmem:s25], [sflag:$0x3], $0x4000, $0x38;
	[tilespmem:$0x1E800] =	vst v63  }
0xf1: {  	_ =	swait.ge [sflag:s26], $0x4000  }
0xf2: {  	[sflag:s26] =	ssyncset.done $0x0  }
0xf3: {  	[sflag:s26] =	ssyncadd.s32 $0xFFFFC000  }
0xf4: {  	[tilespmem:s25], [sflag:$0x3] =	stream.linear.gather [spmem:s13], $0x4000, $0x38;
	[tilespmem:$0x1E800] =	vst v63  }
0xf5: {  	_ =	swait.ge [sflag:s26], $0x4000  }
0xf6: {  	[sflag:s26] =	ssyncset.done $0x0  }
0xf7: {  	[sflag:s26] =	ssyncadd.s32 $0xFFFFC000  }
0xf8: {  	[hbm4b:s19+s3] =	stream.linear.scatter [tilespmem:s25], [sflag:$0x3], $0x4000, $0x38;
	[tilespmem:$0x1E800] =	vst v63  }
0xf9: {  	_ =	swait.ge [sflag:s26], $0x4000  }
0xfa: {  	[sflag:s26] =	ssyncset.done $0x0  }
0xfb: {  	[sflag:s26] =	ssyncadd.s32 $0xFFFFC000  }
0xfc: {  	[tilespmem:s25], [sflag:$0x3] =	stream.linear.gather [spmem:s15], $0x4000, $0x38;
	[tilespmem:$0x1E800] =	vst v63  }
0xfd: {  	_ =	swait.ge [sflag:s26], $0x4000  }
0xfe: {  	[sflag:s26] =	ssyncset.done $0x0  }
0xff: {  	[sflag:s26] =	ssyncadd.s32 $0xFFFFC000  }
0x100: {  	[hbm4b:s21+s3] =	stream.linear.scatter [tilespmem:s25], [sflag:$0x3], $0x4000, $0x38;
	[tilespmem:$0x1E800] =	vst v63  }
0x101: {  	_ =	swait.ge [sflag:s26], $0x4000  }
0x102: {  	s8 =	sadd.s32 $0x1, s8;
	s17 =	rddreg [dreg:$0x4]  }
0x103: {  	p0 =	sne.s32 s8, s17  }
.Ltmp2:
0x104: {  	_ = 	snop;
	(pc) =	sbr.rel @p0 .LBB2_1-.Ltmp2, $3  }
0x105: {  	_ =	sdelay $0x1  }
0x106: {  	[sflag:s26] =	ssyncset.done $0x0  }
0x107: {  	[sflag:s26] =	ssyncadd.s32 $0xFFFFC000  }
0x108: {  	_ =	sfence.sel $0x180000  }
0x109: {  	[bflag:$0x0] =	sbarrier.arrive $0xFFFF  }
0x10a: {  	_ =	strace $0x9000004A  }
0x10b: {  	s0 =	stileid.u32;
	[bflag:$0x2] =	sbarrier.arrive $0xFFFF  }
0x10c: {  	p0 =	sne.s32 s0, $0x0;
	s0 =	rddreg [dreg:$0x3]  }
0x10d: {  	s0 =	sadd.s32 @!p0 $0x100000, s0  }
0x10e: {  	[sflag:s0] =	ssyncadd.tile.s32 @!p0 $0x1;
	_ =	shalt  }
.Lfunc_end2:
_tile_overlayer_lowered:
.L_overlay_start_2:
0x10f: {  	(tag) =	ssettag $0x2  }
0x110: {  	s0 =	rddreg [dreg:$0x0];
	s2 =	stileid.u32  }
0x111: {  	s1 =	rddreg [dreg:$0x1];
	p0 =	sne.s32 s2, $0x0  }
0x112: {  	s3 =	rddreg [dreg:$0x2];
	[bflag:$0x3] =	sbarrier.arrive $0xFFFF;
	s2 =	simm.s32 @!p0 $0x1C03  }
0x113: {  	[timem:s3], [sflag:s2] =	dma.local @!p0 [hbm:s0], s1  }
0x114: {  	s0 =	simm.s32 @!p0 $0x3  }
0x115: {  	_ =	swait.ge @!p0 [sflag:s0], s1  }
0x116: {  	s1 =	ssub.s32 @!p0 $0x0, s1;
	[sflag:s0] =	ssyncset.done @!p0 $0x0  }
0x117: {  	[sflag:s0] =	ssyncadd.s32 @!p0 s1  }
0x118: {  	[bflag:$0x3] =	sbarrier.arrive $0xFFFF  }
0x119: {  	_ =	shalt  }

// kernel: kernel.14.cloned.1.call-start
scs
__scs_entry_jumppad:
0x0: {  	(pc) =	sbr.rel $0x88, $3  }
0x1: {  	(tag) =	ssettag $0x0;
	lr =	simm.s32 $0x1  }
0x2: {  	[smem:$0x3F99] =	sst lr;
	_ =	strace $0xD0000000  }
0x3: {  	_ = 	snop  }
0x4: {  	_ = 	snop  }
0x5: {  	_ = 	snop  }
0x6: {  	_ = 	snop  }
0x7: {  	_ = 	snop  }
__scs_overlays_trampoline_lowered:
0x8: {  	[smem:$0x3FA8] =	sst s0  }
0x9: {  	[smem:$0x3FA9] =	sst s1  }
0xa: {  	[smem:$0x3FAA] =	sst s2  }
0xb: {  	[smem:$0x3FAB] =	sst s3  }
0xc: {  	[smem:$0x3FAC] =	sst s4  }
0xd: {  	[smem:$0x3FAD] =	sst s5  }
0xe: {  	[smem:$0x3FAE] =	sst s6  }
0xf: {  	[smem:$0x3FAF] =	sst s7  }
0x10: {  	[smem:$0x3FB0] =	sst s8  }
0x11: {  	[smem:$0x3FB1] =	sst s9;
	s0 =	simm.s32 @!p0 $0x0  }
0x12: {  	s1 =	sld [smem:$0x3F97];
	s0 =	simm.s32 @p0 $0x1  }
0x13: {  	[smem:$0x3FB2] =	sst s0;
	s0 =	simm.s32 @!p1 $0x0  }
0x14: {  	s2 =	sld [smem:$0x3F96];
	s0 =	simm.s32 @p1 $0x1  }
0x15: {  	[smem:$0x3FB3] =	sst s0;
	s0 =	simm.s32 @!p2 $0x0  }
0x16: {  	s3 =	sld [smem:$0x3FDB];
	s0 =	simm.s32 @p2 $0x1  }
0x17: {  	s4 =	simm.s32 $0x1BF5;
	[smem:$0x3FB5] =	sst s0  }
0x18: {  	s0 =	sld [smem:$0x3F98];
	_ =	swait.ge [sflag:s4], $0x0  }
0x19: {  	s7 =	sld [smem:$0x3F99]  }
0x1a: {  	s8 =	sadd.s32 $0xFFFFE003, lr  }
0x1b: {  	s9 =	sadd.s32 $0xFFFFFEF7, lr;
	s5 =	simm.s32 $0xFFFFFFFF;
	p2 =	slt.u32 s8, $0xFFFFF086  }
0x1c: {  	p1 =	slt.u32 s9, $0xF7A;
	s5 =	simm.s32 @!p2 $0x0  }
0x1d: {  	s5 =	simm.s32 @p1 $0x1;
	p0 =	seq.s32 s7, s2  }
0x1e: {  	s7 =	smul.u32 @!p0 $0xF7A, s2;
	p2 =	seq.s32 @!p0 s5, $0x0  }
0x1f: {  	s9 =	smul.u32 $0xF7A, s1;
	s8 =	simm.s32 @!p0 $0x1BF5;
	p2 =	por !p2, p0  }
0x20: {  	[sflag:s8] =	ssyncset.s32 @!p0 $0xFFFFF086;
	s6 =	sadd.s32 @!p0 s3, s7;
	s7 =	simm.s32 @!p0 $0x108  }
0x21: {  	s3 =	sadd.s32 s3, s9;
	s6 =	sadd.s32 @!p0 $0x88, s6;
	s7 =	simm.s32 @p2 $0x1082  }
0x22: {  	[simem:s7], [sflag:s8] =	dma.local @!p0 [hbm:s6], $0xF7A  }
0x23: {  	s9 =	sor.u32 $0xD0000000, s2;
	s6 =	simm.s32 $0x108;
	_ =	swait.ge @!p0 [sflag:s8], $0x0  }
0x24: {  	s3 =	sadd.s32 $0x88, s3;
	s6 =	simm.s32 @!p1 $0x1082;
	[sflag:s4] =	ssyncset.s32 $0xFFFFF086  }
0x25: {  	[simem:s6], [sflag:s4] =	dma.local [hbm:s3], $0xF7A  }
0x26: {  	[smem:$0x3F99] =	sst s1;
	(tag) =	ssettag s2;
	_ =	strace s9  }
0x27: {  	s1 =	sld [smem:$0x3FA9]  }
0x28: {  	s2 =	sld [smem:$0x3FAA]  }
0x29: {  	s4 =	sld [smem:$0x3FAC]  }
0x2a: {  	p0 =	seq.s32 s5, $0x0;
	s5 =	sld [smem:$0x3FAD]  }
0x2b: {  	s6 =	sld [smem:$0x3FAE]  }
0x2c: {  	s7 =	sld [smem:$0x3FAF]  }
0x2d: {  	s3 =	simm.s32 $0x108;
	s8 =	sld [smem:$0x3FB0]  }
0x2e: {  	s3 =	simm.s32 @!p0 $0x1082;
	s9 =	sld [smem:$0x3FB1]  }
0x2f: {  	lr =	sadd.s32 s0, s3;
	s0 =	sld [smem:$0x3FA8]  }
0x30: {  	s3 =	sld [smem:$0x3FAB]  }
0x31: {  	[smem:$0x3FB4] =	sst s10  }
0x32: {  	s10 =	sld [smem:$0x3FB2];
	_ =	sdelay $0x3  }
0x33: {  	p0 =	seq.s32 s10, $0x1;
	s10 =	sld [smem:$0x3FB4];
	_ =	sdelay $0x3  }
0x34: {  	[smem:$0x3FB4] =	sst s10  }
0x35: {  	s10 =	sld [smem:$0x3FB3];
	_ =	sdelay $0x3  }
0x36: {  	p1 =	seq.s32 s10, $0x1;
	s10 =	sld [smem:$0x3FB4];
	_ =	sdelay $0x3  }
0x37: {  	[smem:$0x3FB4] =	sst s10  }
0x38: {  	s10 =	sld [smem:$0x3FB5]  }
0x39: {  	_ = 	snop;
	(pc) =	sbr.ind lr, $3  }
0x3a: {  	_ = 	snop  }
0x3b: {  	_ = 	snop  }
0x3c: {  	p2 =	seq.s32 s10, $0x1;
	s10 =	sld [smem:$0x3FB4]  }
0x3d: {  	_ =	shalt  }
0x3e: {  	_ =	shalt  }
0x3f: {  	_ =	shalt  }
0x40: {  	_ =	shalt  }
0x41: {  	_ =	shalt  }
0x42: {  	_ =	shalt  }
0x43: {  	_ =	shalt  }
0x44: {  	_ =	shalt  }
0x45: {  	_ =	shalt  }
0x46: {  	_ =	shalt  }
0x47: {  	_ =	shalt  }
0x48: {  	_ =	shalt  }
0x49: {  	_ =	shalt  }
0x4a: {  	_ =	shalt  }
0x4b: {  	_ =	shalt  }
0x4c: {  	_ =	shalt  }
0x4d: {  	_ =	shalt  }
0x4e: {  	_ =	shalt  }
0x4f: {  	_ =	shalt  }
0x50: {  	_ =	shalt  }
0x51: {  	_ =	shalt  }
0x52: {  	_ =	shalt  }
0x53: {  	_ =	shalt  }
0x54: {  	_ =	shalt  }
0x55: {  	_ =	shalt  }
0x56: {  	_ =	shalt  }
0x57: {  	_ =	shalt  }
0x58: {  	_ =	shalt  }
0x59: {  	_ =	shalt  }
0x5a: {  	_ =	shalt  }
0x5b: {  	_ =	shalt  }
0x5c: {  	_ =	shalt  }
0x5d: {  	_ =	shalt  }
0x5e: {  	_ =	shalt  }
0x5f: {  	_ =	shalt  }
0x60: {  	_ =	shalt  }
0x61: {  	_ =	shalt  }
0x62: {  	_ =	shalt  }
0x63: {  	_ =	shalt  }
0x64: {  	_ =	shalt  }
0x65: {  	_ =	shalt  }
0x66: {  	_ =	shalt  }
0x67: {  	_ =	shalt  }
0x68: {  	_ =	shalt  }
0x69: {  	_ =	shalt  }
0x6a: {  	_ =	shalt  }
0x6b: {  	_ =	shalt  }
0x6c: {  	_ =	shalt  }
0x6d: {  	_ =	shalt  }
0x6e: {  	_ =	shalt  }
0x6f: {  	_ =	shalt  }
0x70: {  	_ =	shalt  }
0x71: {  	_ =	shalt  }
0x72: {  	_ =	shalt  }
0x73: {  	_ =	shalt  }
0x74: {  	_ =	shalt  }
0x75: {  	_ =	shalt  }
0x76: {  	_ =	shalt  }
0x77: {  	_ =	shalt  }
0x78: {  	_ =	shalt  }
0x79: {  	_ =	shalt  }
0x7a: {  	_ =	shalt  }
0x7b: {  	_ =	shalt  }
0x7c: {  	_ =	shalt  }
0x7d: {  	_ =	shalt  }
0x7e: {  	_ =	shalt  }
0x7f: {  	_ =	shalt  }
0x80: {  	_ =	shalt  }
0x81: {  	_ =	shalt  }
0x82: {  	_ =	shalt  }
0x83: {  	_ =	shalt  }
0x84: {  	_ =	shalt  }
0x85: {  	_ =	shalt  }
0x86: {  	_ =	shalt  }
0x87: {  	_ =	shalt  }
.Lfunc_end0:
.L_simem_size_0:
called_computation.2_lowered:
.L_overlay_start_0:
0x88: {  	s2 =	sld [smem:$0x3FD9]  }
0x89: {  	s3 =	sld [smem:$0x3FFE];
	_ =	sdelay $0x1  }
0x8a: {  	s1 =	srdreg.scid  }
0x8b: {  	s0 =	sand.u32 $0x1, s1  }
0x8c: {  	s17 =	sshll.u32 s0, $0xA;
	s2 =	sadd.s32 s3, s2  }
0x8d: {  	s2 =	sadd.s32 s2, s17  }
0x8e: {  	[smem:$0x3FC0] =	sst s2  }
0x8f: {  	_ = 	snop  }
0x90: {  	s2 =	sld [smem:$0x3FD0];
	(tm) =	ssettm $0x1  }
0x91: {  	s18 =	sld [smem:$0x3FFB];
	_ =	sdelay $0x3  }
0x92: {  	_ =	strace s18  }
0x93: {  	s3 =	sld [smem:$0x3FFC];
	_ =	sdelay $0x3  }
0x94: {  	_ =	strace s3  }
0x95: {  	s3 =	sld [smem:$0x3FFD];
	_ =	sdelay $0x3  }
0x96: {  	_ =	strace s3  }
0x97: {  	_ =	strace $0x8FFFFFFF  }
0x98: {  	s19 =	sld [smem:$0x3FDB];
	_ =	sdelay $0x1  }
0x99: {  	s4 =	simm.s32 $_scs_section_size  }
0x9a: {  	s5 =	simm.s32 $_size__tile_overlayer_lowered;
	s6 =	simm.s32 $_tile_overlayer_lowered  }
0x9b: {  	s22 =	simm.s32 $0x1BFF;
	s21 =	sshll.u32 s6, $0x1;
	s3 =	sadd.s32 s4, s19  }
0x9c: {  	s7 =	simm.s32 $0x0;
	s20 =	sshll.u32 s5, $0x1;
	s5 =	sadd.s32 s21, s3  }
0x9d: {  	[timem:s7], [sflag:s22] =	dma.local [hbm:s5], s20  }
0x9e: {  	_ =	swait.ge [sflag:s22], s20  }
0x9f: {  	s4 =	ssub.s32 $0x0, s20;
	[sflag:s22] =	ssyncset.done $0x0  }
0xa0: {  	[sflag:s22] =	ssyncadd.s32 s4;
	_ =	sdelay $0x1  }
0xa1: {  	s23 =	simm.s32 $0x1B8B  }
0xa2: {  	_ =	swait.ge [sflag:s23], $0x1  }
0xa3: {  	[sflag:s23] =	ssyncset.done $0x0  }
0xa4: {  	s25 =	simm.s32 $0x1B8E;
	s24 =	sld [smem:$0x3FFE];
	[sflag:s23] =	ssyncadd.s32 $0xFFFFFFFF  }
0xa5: {  	s26 =	simm.s32 $execute0_lowered;
	[smem:$0x3FD2] =	sst s25  }
0xa6: {  	s5 =	sshll.u32 s26, $0x1;
	_ =	strace $0x8000004C;
	[dreg:$0x1] =	wrdreg $0xFFFFFFFF  }
0xa7: {  	s28 =	simm.s32 $_size_execute0_lowered;
	s3 =	sadd.s32 s3, s5;
	[dreg:$0x0] =	wrdreg $0x0  }
0xa8: {  	s5 =	sshll.u32 s28, $0x1;
	[dreg:$0x2] =	wrdreg s3  }
0xa9: {  	[dreg:$0x3] =	wrdreg s5  }
0xaa: {  	[dreg:$0x4] =	wrdreg $0xC0  }
0xab: {  	_ =	task [dreg:s7], $0x5FFFF  }
0xac: {  	[dreg:$0x1] =	wrdreg $0xFFFFFFFF  }
0xad: {  	[dreg:$0x0] =	wrdreg $0x60  }
0xae: {  	[dreg:$0x2] =	wrdreg s2  }
0xaf: {  	[dreg:$0x3] =	wrdreg s24  }
0xb0: {  	[dreg:$0x4] =	wrdreg $0xA8000  }
0xb1: {  	[dreg:$0x5] =	wrdreg $0x9  }
0xb2: {  	_ =	task.clear_ibuf [dreg:s7], $0x6FFFF;
	_ =	strace $0x9000004C  }
0xb3: {  	s29 =	simm.s32 $0x9;
	_ =	strace $0x8000004E  }
0xb4: {  	_ =	swait.ge [sflag:s29], $0x1  }
0xb5: {  	[sflag:s29] =	ssyncadd.s32 $0xFFFFFFFF  }
0xb6: {  	_ =	strace $0x9000004E  }
0xb7: {  	_ =	sfence  }
0xb8: {  	s30 =	sld [smem:$0x0];
	_ =	sdelay $0x2  }
0xb9: {  	s31 =	sshll.u32 s1, $0xD;
	s1 =	sshrl.u32 s1, $0x2  }
0xba: {  	s3 =	sand.u32 $0x4000, s31;
	s1 =	sadd.s32 s1, s30  }
0xbb: {  	s0 =	sor.u32 s3, s0;
	s1 =	sshll.u32 s1, $0x11  }
0xbc: {  	s0 =	sor.u32 s1, s0  }
0xbd: {  	s0 =	sadd.s32 $0x8F2B, s0  }
0xbe: {  	[sflag:s0] =	ssyncadd.remote.s32 $0x1  }
0xbf: {  	_ =	sfence.sel $0xFFFF  }
0xc0: {  	[dreg:$0x0] =	wrdreg $0xFFFFFFFF;
	(pc) =	sbr.abs _section_cstart, $3  }
0xc1: {  	[dreg:$0x1] =	wrdreg $0xFFFFFFFF  }
0xc2: {  	_ =	task.clear_ibuf [dreg:s7], $0x2FFFF;
	_ =	strace $0x9FFFFFFF  }
0xc3: {  	(tm) =	ssettm $0x7FFFFFFF  }
tec
execute0_lowered:
.L_overlay_start_1:
0x0: {  	(tag) =	ssettag $0x1  }
0x1: {  	s0 =	rddreg [dreg:$0x0]  }
0x2: {  	s1 =	rddreg [dreg:$0x1];
	s12 =	stileid.u32  }
0x3: {  	s2 =	rddreg [dreg:$0x2];
	s3 =	simm.s32 $0x0;
	s4 =	smul.u32 $0x500, s12  }
0x4: {  	s5 =	srdreg.scid;
	s28 =	simm.s32 $0x1400;
	s6 =	smul.u32 $0x280, s12  }
0x5: {  	s29 =	simm.s32 $0x7D;
	s30 =	simm.s32 $0x6800;
	s10 =	smul.u32 $0x50000, s12  }
0x6: {  	[smem:$0x7FF] =	sst s3;
	s5 =	sand.u32 $0x1, s5;
	s12 =	smul.u32 $0x50, s12  }
0x7: {  	s31 =	simm.s32 $0x1;
	_ =	strace $0x8000004D;
	s8 =	smul.u32 $0x500, s5  }
0x8: {  	s9 =	ssub.s32 $0x2, s5;
	s13 =	smul.u32 $0x2800, s5;
	s7 =	sadd.s32 s4, s1  }
0x9: {  	s4 =	sadd.s32 $0x55200, s1;
	s1 =	sadd.s32 $0xA5200, s1;
	s11 =	sshrl.u32 s9, $0x1  }
0xa: {  	s22 =	sshrl.u32 s10, $0x2;
	s23 =	sadd.s32 $0x80, s6;
	s16 =	sadd.s32 $0x100, s6  }
0xb: {  	s14 =	sadd.s32 $0x180, s6;
	s9 =	ssub.s32 s9, s11;
	s8 =	sadd.s32 s8, s12  }
0xc: {  	s5 =	sadd.s32 s22, s2;
	s24 =	sadd.s32 s13, s6;
	s25 =	sadd.s32 s13, s23  }
0xd: {  	s20 =	sadd.s32 s13, s16;
	s10 =	sshll.u32 s23, $0x7;
	s22 =	sadd.s32 s13, s14  }
0xe: {  	s11 =	sshll.u32 s16, $0x7;
	s6 =	sadd.s32 $0x200, s6;
	s14 =	sshll.u32 s14, $0x7  }
0xf: {  	s9 =	smax.u32 s9, $0x1;
	s26 =	sshll.u32 s24, $0x4;
	s17 =	sshll.u32 s25, $0x4  }
0x10: {  	s18 =	sshll.u32 s20, $0x4;
	s11 =	sadd.s32 s11, s2;
	s13 =	sadd.s32 s13, s6  }
0x11: {  	s6 =	sshll.u32 s6, $0x7;
	[dreg:$0x4] =	wrdreg s9;
	s9 =	sadd.s32 s4, s26  }
0x12: {  	s19 =	sadd.s32 s4, s17;
	s21 =	sadd.s32 s4, s18;
	s24 =	sadd.s32 s1, s26  }
0x13: {  	s25 =	sadd.s32 s1, s17;
	s26 =	sshll.u32 s8, $0x4;
	[dreg:$0x5] =	wrdreg s9  }
0x14: {  	s18 =	sadd.s32 s1, s18;
	s8 =	simm.s32 $0x0;
	[dreg:$0x6] =	wrdreg s19  }
0x15: {  	s9 =	sadd.s32 s10, s2;
	[dreg:$0x7] =	wrdreg s21;
	s10 =	sshll.u32 s22, $0x4  }
0x16: {  	s21 =	sshll.u32 s13, $0x4;
	s13 =	sadd.s32 s14, s2;
	[dreg:$0xa] =	wrdreg s24  }
0x17: {  	[dreg:$0xb] =	wrdreg s25;
	s20 =	sadd.s32 s0, s26;
	s22 =	sadd.s32 $0x2000, s7  }
0x18: {  	s24 =	sadd.s32 $0x2280, s7;
	s25 =	simm.s32 $0x2800;
	s26 =	simm.s32 $0x3  }
0x19: {  	s0 =	simm.s32 $0x2;
	s7 =	simm.s32 $0x2780;
	s15 =	sadd.s32 s4, s10  }
0x1a: {  	s23 =	sadd.s32 s4, s21;
	s19 =	sadd.s32 s1, s10;
	[dreg:$0x8] =	wrdreg s15  }
0x1b: {  	s21 =	sadd.s32 s1, s21;
	s1 =	simm.s32 $0x1380;
	[dreg:$0x9] =	wrdreg s23  }
0x1c: {  	s15 =	sadd.s32 s6, s2;
	s23 =	sadd.s32 $0x280, s20;
	s6 =	simm.s32 $0x2700  }
.LBB2_1:
0x1d: {  	s10 =	rddreg [dreg:$0x5]  }
0x1e: {  	[tilespmem:s25], [sflag:$0x3] =	stream.linear.gather [hbm4b:s10+s3], $0x4000, $0x38;
	[tilespmem:$0x1E800] =	vst v63  }
0x1f: {  	_ =	swait.ge [sflag:s26], $0x4000  }
0x20: {  	[sflag:s26] =	ssyncset.done $0x0  }
0x21: {  	[sflag:s26] =	ssyncadd.s32 $0xFFFFC000  }
0x22: {  	[spmem:s5] =	stream.linear.scatter [tilespmem:s25], [sflag:$0x3], $0x4000, $0x38;
	[tilespmem:$0x1E800] =	vst v63  }
0x23: {  	_ =	swait.ge [sflag:s26], $0x4000  }
0x24: {  	[sflag:s26] =	ssyncset.done $0x0  }
0x25: {  	s12 =	rddreg [dreg:$0x6];
	[sflag:s26] =	ssyncadd.s32 $0xFFFFC000  }
0x26: {  	[tilespmem:s25], [sflag:$0x3] =	stream.linear.gather [hbm4b:s12+s3], $0x4000, $0x38;
	[tilespmem:$0x1E800] =	vst v63  }
0x27: {  	_ =	swait.ge [sflag:s26], $0x4000  }
0x28: {  	[sflag:s26] =	ssyncset.done $0x0  }
0x29: {  	[sflag:s26] =	ssyncadd.s32 $0xFFFFC000  }
0x2a: {  	[spmem:s9] =	stream.linear.scatter [tilespmem:s25], [sflag:$0x3], $0x4000, $0x38;
	[tilespmem:$0x1E800] =	vst v63  }
0x2b: {  	_ =	swait.ge [sflag:s26], $0x4000  }
0x2c: {  	[sflag:s26] =	ssyncset.done $0x0  }
0x2d: {  	s14 =	rddreg [dreg:$0x7];
	[sflag:s26] =	ssyncadd.s32 $0xFFFFC000  }
0x2e: {  	[tilespmem:s25], [sflag:$0x3] =	stream.linear.gather [hbm4b:s14+s3], $0x4000, $0x38;
	[tilespmem:$0x1E800] =	vst v63  }
0x2f: {  	_ =	swait.ge [sflag:s26], $0x4000  }
0x30: {  	[sflag:s26] =	ssyncset.done $0x0  }
0x31: {  	[sflag:s26] =	ssyncadd.s32 $0xFFFFC000  }
0x32: {  	[spmem:s11] =	stream.linear.scatter [tilespmem:s25], [sflag:$0x3], $0x4000, $0x38;
	[tilespmem:$0x1E800] =	vst v63  }
0x33: {  	_ =	swait.ge [sflag:s26], $0x4000  }
0x34: {  	[sflag:s26] =	ssyncset.done $0x0  }
0x35: {  	s16 =	rddreg [dreg:$0x8];
	[sflag:s26] =	ssyncadd.s32 $0xFFFFC000  }
0x36: {  	[tilespmem:s25], [sflag:$0x3] =	stream.linear.gather [hbm4b:s16+s3], $0x4000, $0x38;
	[tilespmem:$0x1E800] =	vst v63  }
0x37: {  	_ =	swait.ge [sflag:s26], $0x4000  }
0x38: {  	[sflag:s26] =	ssyncset.done $0x0  }
0x39: {  	[sflag:s26] =	ssyncadd.s32 $0xFFFFC000  }
0x3a: {  	[spmem:s13] =	stream.linear.scatter [tilespmem:s25], [sflag:$0x3], $0x4000, $0x38;
	[tilespmem:$0x1E800] =	vst v63  }
0x3b: {  	_ =	swait.ge [sflag:s26], $0x4000  }
0x3c: {  	[sflag:s26] =	ssyncset.done $0x0  }
0x3d: {  	s17 =	rddreg [dreg:$0x9];
	[sflag:s26] =	ssyncadd.s32 $0xFFFFC000  }
0x3e: {  	[tilespmem:s25], [sflag:$0x3] =	stream.linear.gather [hbm4b:s17+s3], $0x4000, $0x38;
	[tilespmem:$0x1E800] =	vst v63  }
0x3f: {  	_ =	swait.ge [sflag:s26], $0x4000  }
0x40: {  	[sflag:s26] =	ssyncset.done $0x0  }
0x41: {  	[sflag:s26] =	ssyncadd.s32 $0xFFFFC000  }
0x42: {  	[spmem:s15] =	stream.linear.scatter [tilespmem:s25], [sflag:$0x3], $0x4000, $0x38;
	[tilespmem:$0x1E800] =	vst v63  }
0x43: {  	_ =	swait.ge [sflag:s26], $0x4000  }
0x44: {  	[sflag:s26] =	ssyncset.done $0x0  }
0x45: {  	[sflag:s26] =	ssyncadd.s32 $0xFFFFC000  }
0x46: {  	[bflag:$0x0] =	sbarrier.arrive $0xFFFF  }
0x47: {  	[tilespmem:s3], [sflag:$0x3] =	stream.linear.gather [hbm4b:s20+s3], $0x1400, $0x38;
	[tilespmem:$0x1E800] =	vst v63  }
0x48: {  	_ =	swait.ge [sflag:s26], $0x1400  }
0x49: {  	[sflag:s26] =	ssyncset.done $0x0  }
0x4a: {  	[sflag:s26] =	ssyncadd.s32 $0xFFFFEC00  }
0x4b: {  	[tilespmem:s28], [sflag:$0x3] =	stream.linear.gather [hbm4b:s22+s3], $0x1400, $0x38;
	[tilespmem:$0x1E800] =	vst v63  }
0x4c: {  	_ =	swait.ge [sflag:s26], $0x1400  }
0x4d: {  	[sflag:s26] =	ssyncset.done $0x0  }
0x4e: {  	[sflag:s26] =	ssyncadd.s32 $0xFFFFEC00  }
0x4f: {  	[tilespmem:s25], [sflag:$0x1] =	stream.indirect.gather [hbm4b:s4+s29], $0x80, s3, s29, $0xb8;
	[tilespmem:$0x1E800] =	vst v63  }
0x50: {  	s12 =	simm.s32 $0x80  }
0x51: {  	[tilespmem:s30], [sflag:$0x2] =	stream.indirect.gather [hbm4b:s4+s29], $0x80, s12, s29, $0xb8;
	[tilespmem:$0x1E800] =	vst v63  }
0x52: {  	_ =	swait.ge [sflag:s31], $0x3E80  }
0x53: {  	[sflag:s31] =	ssyncset.done $0x0  }
0x54: {  	s14 =	simm.s32 $0x1400;
	[sflag:s31] =	ssyncadd.s32 $0xFFFFC180  }
0x55: {  	[spmem:s2] =	stream.indirect.scatter.add.f32 [tilespmem:s25], [sflag:$0x3], $0x80, s14, s29, $0xb8;
	[tilespmem:$0x1E800] =	vst v63  }
0x56: {  	_ =	swait.ge [sflag:s26], $0x3E80  }
0x57: {  	[sflag:s26] =	ssyncset.done $0x0  }
0x58: {  	s16 =	simm.s32 $0x100;
	[sflag:s26] =	ssyncadd.s32 $0xFFFFC180  }
0x59: {  	[tilespmem:s25], [sflag:$0x1] =	stream.indirect.gather [hbm4b:s4+s29], $0x80, s16, s29, $0xb8;
	[tilespmem:$0x1E800] =	vst v63  }
0x5a: {  	_ =	swait.ge [sflag:s0], $0x3E80  }
0x5b: {  	[sflag:s0] =	ssyncset.done $0x0  }
0x5c: {  	s17 =	simm.s32 $0x1480;
	[sflag:s0] =	ssyncadd.s32 $0xFFFFC180  }
0x5d: {  	[spmem:s2] =	stream.indirect.scatter.add.f32 [tilespmem:s30], [sflag:$0x3], $0x80, s17, s29, $0xb8;
	[tilespmem:$0x1E800] =	vst v63  }
0x5e: {  	_ =	swait.ge [sflag:s26], $0x3E80  }
0x5f: {  	s10 =	simm.s32 $0x100;
	s12 =	simm.s32 $0x800;
	[sflag:s26] =	ssyncset.done $0x0  }
.LBB2_2:
0x60: {  	s14 =	sadd.s32 $0x80, s10  }
0x61: {  	[sflag:s26] =	ssyncadd.s32 $0xFFFFC180;
	s16 =	smov.u32 s12;
	s17 =	sadd.s32 $0x400, s12  }
0x62: {  	[tilespmem:s30], [sflag:$0x2] =	stream.indirect.gather [hbm4b:s4+s29], $0x80, s14, s29, $0xb8;
	[tilespmem:$0x1E800] =	vst v63  }
0x63: {  	p0 =	sne.s32 s12, $0x4800;
	_ =	swait.ge [sflag:s31], $0x3E80  }
0x64: {  	[sflag:s31] =	ssyncset.done $0x0  }
0x65: {  	s12 =	sadd.s32 $0x1400, s10;
	[sflag:s31] =	ssyncadd.s32 $0xFFFFC180  }
0x66: {  	[spmem:s2] =	stream.indirect.scatter.add.f32 [tilespmem:s25], [sflag:$0x3], $0x80, s12, s29, $0xb8;
	[tilespmem:$0x1E800] =	vst v63  }
0x67: {  	_ =	swait.ge [sflag:s26], $0x3E80  }
0x68: {  	[sflag:s26] =	ssyncset.done $0x0  }
0x69: {  	s12 =	sadd.s32 $0x100, s10;
	[sflag:s26] =	ssyncadd.s32 $0xFFFFC180  }
0x6a: {  	[tilespmem:s25], [sflag:$0x1] =	stream.indirect.gather [hbm4b:s4+s29], $0x80, s12, s29, $0xb8;
	[tilespmem:$0x1E800] =	vst v63  }
0x6b: {  	_ =	swait.ge [sflag:s0], $0x3E80  }
.Ltmp0:
0x6c: {  	[sflag:s0] =	ssyncset.done $0x0;
	(pc) =	sbr.rel @p0 .LBB2_2-.Ltmp0, $4  }
0x6d: {  	s10 =	sadd.s32 $0x1480, s10;
	[sflag:s0] =	ssyncadd.s32 $0xFFFFC180  }
0x6e: {  	[spmem:s2] =	stream.indirect.scatter.add.f32 [tilespmem:s30], [sflag:$0x3], $0x80, s10, s29, $0xb8;
	[tilespmem:$0x1E800] =	vst v63  }
0x6f: {  	_ =	swait.ge [sflag:s26], $0x3E80  }
0x70: {  	s12 =	smov.u32 s17;
	s10 =	sshra.s32 s16, $0x2;
	[sflag:s26] =	ssyncset.done $0x0  }
0x71: {  	s12 =	sadd.s32 $0x80, s10;
	[sflag:s26] =	ssyncadd.s32 $0xFFFFC180  }
0x72: {  	[tilespmem:s30], [sflag:$0x2] =	stream.indirect.gather [hbm4b:s4+s29], $0x80, s12, s29, $0xb8;
	[tilespmem:$0x1E800] =	vst v63  }
0x73: {  	_ =	swait.ge [sflag:s31], $0x3E80  }
0x74: {  	[sflag:s31] =	ssyncset.done $0x0  }
0x75: {  	s17 =	sadd.s32 $0x1400, s10;
	[sflag:s31] =	ssyncadd.s32 $0xFFFFC180  }
0x76: {  	[spmem:s2] =	stream.indirect.scatter.add.f32 [tilespmem:s25], [sflag:$0x3], $0x80, s17, s29, $0xb8;
	[tilespmem:$0x1E800] =	vst v63  }
0x77: {  	_ =	swait.ge [sflag:s26], $0x3E80  }
0x78: {  	[sflag:s26] =	ssyncset.done $0x0  }
0x79: {  	s14 =	sadd.s32 $0x100, s10;
	[sflag:s26] =	ssyncadd.s32 $0xFFFFC180  }
0x7a: {  	[tilespmem:s25], [sflag:$0x1] =	stream.indirect.gather [hbm4b:s4+s29], $0x80, s14, s29, $0xb8;
	[tilespmem:$0x1E800] =	vst v63  }
0x7b: {  	_ =	swait.ge [sflag:s0], $0x3E80  }
0x7c: {  	[sflag:s0] =	ssyncset.done $0x0  }
0x7d: {  	s16 =	sadd.s32 $0x1480, s10;
	[sflag:s0] =	ssyncadd.s32 $0xFFFFC180  }
0x7e: {  	[spmem:s2] =	stream.indirect.scatter.add.f32 [tilespmem:s30], [sflag:$0x3], $0x80, s16, s29, $0xb8;
	[tilespmem:$0x1E800] =	vst v63  }
0x7f: {  	_ =	swait.ge [sflag:s26], $0x3E80  }
0x80: {  	[sflag:s26] =	ssyncset.done $0x0  }
0x81: {  	[sflag:s26] =	ssyncadd.s32 $0xFFFFC180  }
0x82: {  	[tilespmem:s30], [sflag:$0x2] =	stream.indirect.gather [hbm4b:s4+s29], $0x80, s1, s29, $0xb8;
	[tilespmem:$0x1E800] =	vst v63  }
0x83: {  	_ =	swait.ge [sflag:s31], $0x3E80  }
0x84: {  	[sflag:s31] =	ssyncset.done $0x0  }
0x85: {  	[sflag:s31] =	ssyncadd.s32 $0xFFFFC180  }
0x86: {  	[spmem:s2] =	stream.indirect.scatter.add.f32 [tilespmem:s25], [sflag:$0x3], $0x80, s6, s29, $0xb8;
	[tilespmem:$0x1E800] =	vst v63  }
0x87: {  	_ =	swait.ge [sflag:s26], $0x3E80  }
0x88: {  	[sflag:s26] =	ssyncset.done $0x0  }
0x89: {  	[sflag:s26] =	ssyncadd.s32 $0xFFFFC180  }
0x8a: {  	_ =	swait.ge [sflag:s0], $0x3E80  }
0x8b: {  	[sflag:s0] =	ssyncset.done $0x0  }
0x8c: {  	[sflag:s0] =	ssyncadd.s32 $0xFFFFC180  }
0x8d: {  	[spmem:s2] =	stream.indirect.scatter.add.f32 [tilespmem:s30], [sflag:$0x3], $0x80, s7, s29, $0xb8;
	[tilespmem:$0x1E800] =	vst v63  }
0x8e: {  	_ =	swait.ge [sflag:s26], $0x3E80  }
0x8f: {  	[sflag:s26] =	ssyncset.done $0x0  }
0x90: {  	s17 =	simm.s32 $0x0;
	[sflag:s26] =	ssyncadd.s32 $0xFFFFC180  }
0x91: {  	[tilespmem:s17], [sflag:$0x3] =	stream.linear.gather [hbm4b:s23+s17], $0x1400, $0x38;
	[tilespmem:$0x1E800] =	vst v63  }
0x92: {  	_ =	swait.ge [sflag:s26], $0x1400  }
0x93: {  	[sflag:s26] =	ssyncset.done $0x0  }
0x94: {  	[sflag:s26] =	ssyncadd.s32 $0xFFFFEC00  }
0x95: {  	[tilespmem:s28], [sflag:$0x3] =	stream.linear.gather [hbm4b:s24+s17], $0x1400, $0x38;
	[tilespmem:$0x1E800] =	vst v63  }
0x96: {  	_ =	swait.ge [sflag:s26], $0x1400  }
0x97: {  	[sflag:s26] =	ssyncset.done $0x0  }
0x98: {  	[sflag:s26] =	ssyncadd.s32 $0xFFFFEC00  }
0x99: {  	[tilespmem:s25], [sflag:$0x1] =	stream.indirect.gather [hbm4b:s4+s29], $0x80, s17, s29, $0xb8;
	[tilespmem:$0x1E800] =	vst v63  }
0x9a: {  	s12 =	simm.s32 $0x80  }
0x9b: {  	[tilespmem:s30], [sflag:$0x2] =	stream.indirect.gather [hbm4b:s4+s29], $0x80, s12, s29, $0xb8;
	[tilespmem:$0x1E800] =	vst v63  }
0x9c: {  	_ =	swait.ge [sflag:s31], $0x3E80  }
0x9d: {  	[sflag:s31] =	ssyncset.done $0x0  }
0x9e: {  	s14 =	simm.s32 $0x1400;
	[sflag:s31] =	ssyncadd.s32 $0xFFFFC180  }
0x9f: {  	[spmem:s2] =	stream.indirect.scatter.add.f32 [tilespmem:s25], [sflag:$0x3], $0x80, s14, s29, $0xb8;
	[tilespmem:$0x1E800] =	vst v63  }
0xa0: {  	_ =	swait.ge [sflag:s26], $0x3E80  }
0xa1: {  	[sflag:s26] =	ssyncset.done $0x0  }
0xa2: {  	s16 =	simm.s32 $0x100;
	[sflag:s26] =	ssyncadd.s32 $0xFFFFC180  }
0xa3: {  	[tilespmem:s25], [sflag:$0x1] =	stream.indirect.gather [hbm4b:s4+s29], $0x80, s16, s29, $0xb8;
	[tilespmem:$0x1E800] =	vst v63  }
0xa4: {  	_ =	swait.ge [sflag:s0], $0x3E80  }
0xa5: {  	[sflag:s0] =	ssyncset.done $0x0  }
0xa6: {  	s17 =	simm.s32 $0x1480;
	[sflag:s0] =	ssyncadd.s32 $0xFFFFC180  }
0xa7: {  	[spmem:s2] =	stream.indirect.scatter.add.f32 [tilespmem:s30], [sflag:$0x3], $0x80, s17, s29, $0xb8;
	[tilespmem:$0x1E800] =	vst v63  }
0xa8: {  	_ =	swait.ge [sflag:s26], $0x3E80  }
0xa9: {  	s10 =	simm.s32 $0x100;
	s12 =	simm.s32 $0x800;
	[sflag:s26] =	ssyncset.done $0x0  }
.LBB2_4:
0xaa: {  	s14 =	sadd.s32 $0x80, s10  }
0xab: {  	[sflag:s26] =	ssyncadd.s32 $0xFFFFC180;
	s16 =	smov.u32 s12;
	s17 =	sadd.s32 $0x400, s12  }
0xac: {  	[tilespmem:s30], [sflag:$0x2] =	stream.indirect.gather [hbm4b:s4+s29], $0x80, s14, s29, $0xb8;
	[tilespmem:$0x1E800] =	vst v63  }
0xad: {  	p0 =	sne.s32 s12, $0x4800;
	_ =	swait.ge [sflag:s31], $0x3E80  }
0xae: {  	[sflag:s31] =	ssyncset.done $0x0  }
0xaf: {  	s12 =	sadd.s32 $0x1400, s10;
	[sflag:s31] =	ssyncadd.s32 $0xFFFFC180  }
0xb0: {  	[spmem:s2] =	stream.indirect.scatter.add.f32 [tilespmem:s25], [sflag:$0x3], $0x80, s12, s29, $0xb8;
	[tilespmem:$0x1E800] =	vst v63  }
0xb1: {  	_ =	swait.ge [sflag:s26], $0x3E80  }
0xb2: {  	[sflag:s26] =	ssyncset.done $0x0  }
0xb3: {  	s12 =	sadd.s32 $0x100, s10;
	[sflag:s26] =	ssyncadd.s32 $0xFFFFC180  }
0xb4: {  	[tilespmem:s25], [sflag:$0x1] =	stream.indirect.gather [hbm4b:s4+s29], $0x80, s12, s29, $0xb8;
	[tilespmem:$0x1E800] =	vst v63  }
0xb5: {  	_ =	swait.ge [sflag:s0], $0x3E80  }
.Ltmp1:
0xb6: {  	[sflag:s0] =	ssyncset.done $0x0;
	(pc) =	sbr.rel @p0 .LBB2_4-.Ltmp1, $4  }
0xb7: {  	s10 =	sadd.s32 $0x1480, s10;
	[sflag:s0] =	ssyncadd.s32 $0xFFFFC180  }
0xb8: {  	[spmem:s2] =	stream.indirect.scatter.add.f32 [tilespmem:s30], [sflag:$0x3], $0x80, s10, s29, $0xb8;
	[tilespmem:$0x1E800] =	vst v63  }
0xb9: {  	_ =	swait.ge [sflag:s26], $0x3E80  }
0xba: {  	s12 =	smov.u32 s17;
	s10 =	sshra.s32 s16, $0x2;
	[sflag:s26] =	ssyncset.done $0x0  }
0xbb: {  	s12 =	sadd.s32 $0x80, s10;
	[sflag:s26] =	ssyncadd.s32 $0xFFFFC180  }
0xbc: {  	[tilespmem:s30], [sflag:$0x2] =	stream.indirect.gather [hbm4b:s4+s29], $0x80, s12, s29, $0xb8;
	[tilespmem:$0x1E800] =	vst v63  }
0xbd: {  	_ =	swait.ge [sflag:s31], $0x3E80  }
0xbe: {  	[sflag:s31] =	ssyncset.done $0x0  }
0xbf: {  	s16 =	sadd.s32 $0x1400, s10;
	[sflag:s31] =	ssyncadd.s32 $0xFFFFC180  }
0xc0: {  	[spmem:s2] =	stream.indirect.scatter.add.f32 [tilespmem:s25], [sflag:$0x3], $0x80, s16, s29, $0xb8;
	[tilespmem:$0x1E800] =	vst v63  }
0xc1: {  	_ =	swait.ge [sflag:s26], $0x3E80  }
0xc2: {  	[sflag:s26] =	ssyncset.done $0x0  }
0xc3: {  	s17 =	sadd.s32 $0x100, s10;
	[sflag:s26] =	ssyncadd.s32 $0xFFFFC180  }
0xc4: {  	[tilespmem:s25], [sflag:$0x1] =	stream.indirect.gather [hbm4b:s4+s29], $0x80, s17, s29, $0xb8;
	[tilespmem:$0x1E800] =	vst v63  }
0xc5: {  	_ =	swait.ge [sflag:s0], $0x3E80  }
0xc6: {  	[sflag:s0] =	ssyncset.done $0x0  }
0xc7: {  	s12 =	sadd.s32 $0x1480, s10;
	[sflag:s0] =	ssyncadd.s32 $0xFFFFC180  }
0xc8: {  	[spmem:s2] =	stream.indirect.scatter.add.f32 [tilespmem:s30], [sflag:$0x3], $0x80, s12, s29, $0xb8;
	[tilespmem:$0x1E800] =	vst v63  }
0xc9: {  	_ =	swait.ge [sflag:s26], $0x3E80  }
0xca: {  	[sflag:s26] =	ssyncset.done $0x0  }
0xcb: {  	[sflag:s26] =	ssyncadd.s32 $0xFFFFC180  }
0xcc: {  	[tilespmem:s30], [sflag:$0x2] =	stream.indirect.gather [hbm4b:s4+s29], $0x80, s1, s29, $0xb8;
	[tilespmem:$0x1E800] =	vst v63  }
0xcd: {  	_ =	swait.ge [sflag:s31], $0x3E80  }
0xce: {  	[sflag:s31] =	ssyncset.done $0x0  }
0xcf: {  	[sflag:s31] =	ssyncadd.s32 $0xFFFFC180  }
0xd0: {  	[spmem:s2] =	stream.indirect.scatter.add.f32 [tilespmem:s25], [sflag:$0x3], $0x80, s6, s29, $0xb8;
	[tilespmem:$0x1E800] =	vst v63  }
0xd1: {  	_ =	swait.ge [sflag:s26], $0x3E80  }
0xd2: {  	[sflag:s26] =	ssyncset.done $0x0  }
0xd3: {  	[sflag:s26] =	ssyncadd.s32 $0xFFFFC180  }
0xd4: {  	_ =	swait.ge [sflag:s0], $0x3E80  }
0xd5: {  	[sflag:s0] =	ssyncset.done $0x0  }
0xd6: {  	[sflag:s0] =	ssyncadd.s32 $0xFFFFC180  }
0xd7: {  	[spmem:s2] =	stream.indirect.scatter.add.f32 [tilespmem:s30], [sflag:$0x3], $0x80, s7, s29, $0xb8;
	[tilespmem:$0x1E800] =	vst v63  }
0xd8: {  	_ =	swait.ge [sflag:s26], $0x3E80  }
0xd9: {  	[sflag:s26] =	ssyncset.done $0x0  }
0xda: {  	[sflag:s26] =	ssyncadd.s32 $0xFFFFC180  }
0xdb: {  	[bflag:$0x0] =	sbarrier.arrive $0xFFFF  }
0xdc: {  	[tilespmem:s25], [sflag:$0x3] =	stream.linear.gather [spmem:s5], $0x4000, $0x38;
	[tilespmem:$0x1E800] =	vst v63  }
0xdd: {  	_ =	swait.ge [sflag:s26], $0x4000  }
0xde: {  	[sflag:s26] =	ssyncset.done $0x0  }
0xdf: {  	s14 =	rddreg [dreg:$0xa];
	[sflag:s26] =	ssyncadd.s32 $0xFFFFC000  }
0xe0: {  	[hbm4b:s14+s3] =	stream.linear.scatter [tilespmem:s25], [sflag:$0x3], $0x4000, $0x38;
	[tilespmem:$0x1E800] =	vst v63  }
0xe1: {  	_ =	swait.ge [sflag:s26], $0x4000  }
0xe2: {  	[sflag:s26] =	ssyncset.done $0x0  }
0xe3: {  	[sflag:s26] =	ssyncadd.s32 $0xFFFFC000  }
0xe4: {  	[tilespmem:s25], [sflag:$0x3] =	stream.linear.gather [spmem:s9], $0x4000, $0x38;
	[tilespmem:$0x1E800] =	vst v63  }
0xe5: {  	_ =	swait.ge [sflag:s26], $0x4000  }
0xe6: {  	[sflag:s26] =	ssyncset.done $0x0  }
0xe7: {  	s16 =	rddreg [dreg:$0xb];
	[sflag:s26] =	ssyncadd.s32 $0xFFFFC000  }
0xe8: {  	[hbm4b:s16+s3] =	stream.linear.scatter [tilespmem:s25], [sflag:$0x3], $0x4000, $0x38;
	[tilespmem:$0x1E800] =	vst v63  }
0xe9: {  	_ =	swait.ge [sflag:s26], $0x4000  }
0xea: {  	[sflag:s26] =	ssyncset.done $0x0  }
0xeb: {  	[sflag:s26] =	ssyncadd.s32 $0xFFFFC000  }
0xec: {  	[tilespmem:s25], [sflag:$0x3] =	stream.linear.gather [spmem:s11], $0x4000, $0x38;
	[tilespmem:$0x1E800] =	vst v63  }
0xed: {  	_ =	swait.ge [sflag:s26], $0x4000  }
0xee: {  	[sflag:s26] =	ssyncset.done $0x0  }
0xef: {  	[sflag:s26] =	ssyncadd.s32 $0xFFFFC000  }
0xf0: {  	[hbm4b:s18+s3] =	stream.linear.scatter [tilespmem:s25], [sflag:$0x3], $0x4000, $0x38;
	[tilespmem:$0x1E800] =	vst v63  }
0xf1: {  	_ =	swait.ge [sflag:s26], $0x4000  }
0xf2: {  	[sflag:s26] =	ssyncset.done $0x0  }
0xf3: {  	[sflag:s26] =	ssyncadd.s32 $0xFFFFC000  }
0xf4: {  	[tilespmem:s25], [sflag:$0x3] =	stream.linear.gather [spmem:s13], $0x4000, $0x38;
	[tilespmem:$0x1E800] =	vst v63  }
0xf5: {  	_ =	swait.ge [sflag:s26], $0x4000  }
0xf6: {  	[sflag:s26] =	ssyncset.done $0x0  }
0xf7: {  	[sflag:s26] =	ssyncadd.s32 $0xFFFFC000  }
0xf8: {  	[hbm4b:s19+s3] =	stream.linear.scatter [tilespmem:s25], [sflag:$0x3], $0x4000, $0x38;
	[tilespmem:$0x1E800] =	vst v63  }
0xf9: {  	_ =	swait.ge [sflag:s26], $0x4000  }
0xfa: {  	[sflag:s26] =	ssyncset.done $0x0  }
0xfb: {  	[sflag:s26] =	ssyncadd.s32 $0xFFFFC000  }
0xfc: {  	[tilespmem:s25], [sflag:$0x3] =	stream.linear.gather [spmem:s15], $0x4000, $0x38;
	[tilespmem:$0x1E800] =	vst v63  }
0xfd: {  	_ =	swait.ge [sflag:s26], $0x4000  }
0xfe: {  	[sflag:s26] =	ssyncset.done $0x0  }
0xff: {  	[sflag:s26] =	ssyncadd.s32 $0xFFFFC000  }
0x100: {  	[hbm4b:s21+s3] =	stream.linear.scatter [tilespmem:s25], [sflag:$0x3], $0x4000, $0x38;
	[tilespmem:$0x1E800] =	vst v63  }
0x101: {  	_ =	swait.ge [sflag:s26], $0x4000  }
0x102: {  	s8 =	sadd.s32 $0x1, s8;
	s17 =	rddreg [dreg:$0x4]  }
0x103: {  	p0 =	sne.s32 s8, s17  }
.Ltmp2:
0x104: {  	_ = 	snop;
	(pc) =	sbr.rel @p0 .LBB2_1-.Ltmp2, $3  }
0x105: {  	_ =	sdelay $0x1  }
0x106: {  	[sflag:s26] =	ssyncset.done $0x0  }
0x107: {  	[sflag:s26] =	ssyncadd.s32 $0xFFFFC000  }
0x108: {  	_ =	sfence.sel $0x180000  }
0x109: {  	[bflag:$0x0] =	sbarrier.arrive $0xFFFF  }
0x10a: {  	_ =	strace $0x9000004D  }
0x10b: {  	s0 =	stileid.u32;
	[bflag:$0x2] =	sbarrier.arrive $0xFFFF  }
0x10c: {  	p0 =	sne.s32 s0, $0x0;
	s0 =	rddreg [dreg:$0x3]  }
0x10d: {  	s0 =	sadd.s32 @!p0 $0x100000, s0  }
0x10e: {  	[sflag:s0] =	ssyncadd.tile.s32 @!p0 $0x1;
	_ =	shalt  }
.Lfunc_end2:
_tile_overlayer_lowered:
.L_overlay_start_2:
0x10f: {  	(tag) =	ssettag $0x2  }
0x110: {  	s0 =	rddreg [dreg:$0x0];
	s2 =	stileid.u32  }
0x111: {  	s1 =	rddreg [dreg:$0x1];
	p0 =	sne.s32 s2, $0x0  }
0x112: {  	s3 =	rddreg [dreg:$0x2];
	[bflag:$0x3] =	sbarrier.arrive $0xFFFF;
	s2 =	simm.s32 @!p0 $0x1C03  }
0x113: {  	[timem:s3], [sflag:s2] =	dma.local @!p0 [hbm:s0], s1  }
0x114: {  	s0 =	simm.s32 @!p0 $0x3  }
0x115: {  	_ =	swait.ge @!p0 [sflag:s0], s1  }
0x116: {  	s1 =	ssub.s32 @!p0 $0x0, s1;
	[sflag:s0] =	ssyncset.done @!p0 $0x0  }
0x117: {  	[sflag:s0] =	ssyncadd.s32 @!p0 s1  }
0x118: {  	[bflag:$0x3] =	sbarrier.arrive $0xFFFF  }
0x119: {  	_ =	shalt  }

// kernel: kernel.8.cloned.1.call-start
scs
__scs_entry_jumppad:
0x0: {  	(pc) =	sbr.rel $0x88, $3  }
0x1: {  	(tag) =	ssettag $0x0;
	lr =	simm.s32 $0x1  }
0x2: {  	[smem:$0x3F99] =	sst lr;
	_ =	strace $0xD0000000  }
0x3: {  	_ = 	snop  }
0x4: {  	_ = 	snop  }
0x5: {  	_ = 	snop  }
0x6: {  	_ = 	snop  }
0x7: {  	_ = 	snop  }
__scs_overlays_trampoline_lowered:
0x8: {  	[smem:$0x3FA8] =	sst s0  }
0x9: {  	[smem:$0x3FA9] =	sst s1  }
0xa: {  	[smem:$0x3FAA] =	sst s2  }
0xb: {  	[smem:$0x3FAB] =	sst s3  }
0xc: {  	[smem:$0x3FAC] =	sst s4  }
0xd: {  	[smem:$0x3FAD] =	sst s5  }
0xe: {  	[smem:$0x3FAE] =	sst s6  }
0xf: {  	[smem:$0x3FAF] =	sst s7  }
0x10: {  	[smem:$0x3FB0] =	sst s8  }
0x11: {  	[smem:$0x3FB1] =	sst s9;
	s0 =	simm.s32 @!p0 $0x0  }
0x12: {  	s1 =	sld [smem:$0x3F97];
	s0 =	simm.s32 @p0 $0x1  }
0x13: {  	[smem:$0x3FB2] =	sst s0;
	s0 =	simm.s32 @!p1 $0x0  }
0x14: {  	s2 =	sld [smem:$0x3F96];
	s0 =	simm.s32 @p1 $0x1  }
0x15: {  	[smem:$0x3FB3] =	sst s0;
	s0 =	simm.s32 @!p2 $0x0  }
0x16: {  	s3 =	sld [smem:$0x3FDB];
	s0 =	simm.s32 @p2 $0x1  }
0x17: {  	s4 =	simm.s32 $0x1BF5;
	[smem:$0x3FB5] =	sst s0  }
0x18: {  	s0 =	sld [smem:$0x3F98];
	_ =	swait.ge [sflag:s4], $0x0  }
0x19: {  	s7 =	sld [smem:$0x3F99]  }
0x1a: {  	s8 =	sadd.s32 $0xFFFFE003, lr  }
0x1b: {  	s9 =	sadd.s32 $0xFFFFFEF7, lr;
	s5 =	simm.s32 $0xFFFFFFFF;
	p2 =	slt.u32 s8, $0xFFFFF086  }
0x1c: {  	p1 =	slt.u32 s9, $0xF7A;
	s5 =	simm.s32 @!p2 $0x0  }
0x1d: {  	s5 =	simm.s32 @p1 $0x1;
	p0 =	seq.s32 s7, s2  }
0x1e: {  	s7 =	smul.u32 @!p0 $0xF7A, s2;
	p2 =	seq.s32 @!p0 s5, $0x0  }
0x1f: {  	s9 =	smul.u32 $0xF7A, s1;
	s8 =	simm.s32 @!p0 $0x1BF5;
	p2 =	por !p2, p0  }
0x20: {  	[sflag:s8] =	ssyncset.s32 @!p0 $0xFFFFF086;
	s6 =	sadd.s32 @!p0 s3, s7;
	s7 =	simm.s32 @!p0 $0x108  }
0x21: {  	s3 =	sadd.s32 s3, s9;
	s6 =	sadd.s32 @!p0 $0x88, s6;
	s7 =	simm.s32 @p2 $0x1082  }
0x22: {  	[simem:s7], [sflag:s8] =	dma.local @!p0 [hbm:s6], $0xF7A  }
0x23: {  	s9 =	sor.u32 $0xD0000000, s2;
	s6 =	simm.s32 $0x108;
	_ =	swait.ge @!p0 [sflag:s8], $0x0  }
0x24: {  	s3 =	sadd.s32 $0x88, s3;
	s6 =	simm.s32 @!p1 $0x1082;
	[sflag:s4] =	ssyncset.s32 $0xFFFFF086  }
0x25: {  	[simem:s6], [sflag:s4] =	dma.local [hbm:s3], $0xF7A  }
0x26: {  	[smem:$0x3F99] =	sst s1;
	(tag) =	ssettag s2;
	_ =	strace s9  }
0x27: {  	s1 =	sld [smem:$0x3FA9]  }
0x28: {  	s2 =	sld [smem:$0x3FAA]  }
0x29: {  	s4 =	sld [smem:$0x3FAC]  }
0x2a: {  	p0 =	seq.s32 s5, $0x0;
	s5 =	sld [smem:$0x3FAD]  }
0x2b: {  	s6 =	sld [smem:$0x3FAE]  }
0x2c: {  	s7 =	sld [smem:$0x3FAF]  }
0x2d: {  	s3 =	simm.s32 $0x108;
	s8 =	sld [smem:$0x3FB0]  }
0x2e: {  	s3 =	simm.s32 @!p0 $0x1082;
	s9 =	sld [smem:$0x3FB1]  }
0x2f: {  	lr =	sadd.s32 s0, s3;
	s0 =	sld [smem:$0x3FA8]  }
0x30: {  	s3 =	sld [smem:$0x3FAB]  }
0x31: {  	[smem:$0x3FB4] =	sst s10  }
0x32: {  	s10 =	sld [smem:$0x3FB2];
	_ =	sdelay $0x3  }
0x33: {  	p0 =	seq.s32 s10, $0x1;
	s10 =	sld [smem:$0x3FB4];
	_ =	sdelay $0x3  }
0x34: {  	[smem:$0x3FB4] =	sst s10  }
0x35: {  	s10 =	sld [smem:$0x3FB3];
	_ =	sdelay $0x3  }
0x36: {  	p1 =	seq.s32 s10, $0x1;
	s10 =	sld [smem:$0x3FB4];
	_ =	sdelay $0x3  }
0x37: {  	[smem:$0x3FB4] =	sst s10  }
0x38: {  	s10 =	sld [smem:$0x3FB5]  }
0x39: {  	_ = 	snop;
	(pc) =	sbr.ind lr, $3  }
0x3a: {  	_ = 	snop  }
0x3b: {  	_ = 	snop  }
0x3c: {  	p2 =	seq.s32 s10, $0x1;
	s10 =	sld [smem:$0x3FB4]  }
0x3d: {  	_ =	shalt  }
0x3e: {  	_ =	shalt  }
0x3f: {  	_ =	shalt  }
0x40: {  	_ =	shalt  }
0x41: {  	_ =	shalt  }
0x42: {  	_ =	shalt  }
0x43: {  	_ =	shalt  }
0x44: {  	_ =	shalt  }
0x45: {  	_ =	shalt  }
0x46: {  	_ =	shalt  }
0x47: {  	_ =	shalt  }
0x48: {  	_ =	shalt  }
0x49: {  	_ =	shalt  }
0x4a: {  	_ =	shalt  }
0x4b: {  	_ =	shalt  }
0x4c: {  	_ =	shalt  }
0x4d: {  	_ =	shalt  }
0x4e: {  	_ =	shalt  }
0x4f: {  	_ =	shalt  }
0x50: {  	_ =	shalt  }
0x51: {  	_ =	shalt  }
0x52: {  	_ =	shalt  }
0x53: {  	_ =	shalt  }
0x54: {  	_ =	shalt  }
0x55: {  	_ =	shalt  }
0x56: {  	_ =	shalt  }
0x57: {  	_ =	shalt  }
0x58: {  	_ =	shalt  }
0x59: {  	_ =	shalt  }
0x5a: {  	_ =	shalt  }
0x5b: {  	_ =	shalt  }
0x5c: {  	_ =	shalt  }
0x5d: {  	_ =	shalt  }
0x5e: {  	_ =	shalt  }
0x5f: {  	_ =	shalt  }
0x60: {  	_ =	shalt  }
0x61: {  	_ =	shalt  }
0x62: {  	_ =	shalt  }
0x63: {  	_ =	shalt  }
0x64: {  	_ =	shalt  }
0x65: {  	_ =	shalt  }
0x66: {  	_ =	shalt  }
0x67: {  	_ =	shalt  }
0x68: {  	_ =	shalt  }
0x69: {  	_ =	shalt  }
0x6a: {  	_ =	shalt  }
0x6b: {  	_ =	shalt  }
0x6c: {  	_ =	shalt  }
0x6d: {  	_ =	shalt  }
0x6e: {  	_ =	shalt  }
0x6f: {  	_ =	shalt  }
0x70: {  	_ =	shalt  }
0x71: {  	_ =	shalt  }
0x72: {  	_ =	shalt  }
0x73: {  	_ =	shalt  }
0x74: {  	_ =	shalt  }
0x75: {  	_ =	shalt  }
0x76: {  	_ =	shalt  }
0x77: {  	_ =	shalt  }
0x78: {  	_ =	shalt  }
0x79: {  	_ =	shalt  }
0x7a: {  	_ =	shalt  }
0x7b: {  	_ =	shalt  }
0x7c: {  	_ =	shalt  }
0x7d: {  	_ =	shalt  }
0x7e: {  	_ =	shalt  }
0x7f: {  	_ =	shalt  }
0x80: {  	_ =	shalt  }
0x81: {  	_ =	shalt  }
0x82: {  	_ =	shalt  }
0x83: {  	_ =	shalt  }
0x84: {  	_ =	shalt  }
0x85: {  	_ =	shalt  }
0x86: {  	_ =	shalt  }
0x87: {  	_ =	shalt  }
.Lfunc_end0:
.L_simem_size_0:
called_computation_lowered:
.L_overlay_start_0:
0x88: {  	s2 =	sld [smem:$0x3FD9]  }
0x89: {  	s3 =	sld [smem:$0x3FFE];
	_ =	sdelay $0x1  }
0x8a: {  	s1 =	srdreg.scid  }
0x8b: {  	s0 =	sand.u32 $0x1, s1  }
0x8c: {  	s16 =	sshll.u32 s0, $0xA;
	s2 =	sadd.s32 s3, s2  }
0x8d: {  	s2 =	sadd.s32 s2, s16  }
0x8e: {  	[smem:$0x3FC0] =	sst s2  }
0x8f: {  	_ = 	snop  }
0x90: {  	(tm) =	ssettm $0x1  }
0x91: {  	s17 =	sld [smem:$0x3FFB];
	_ =	sdelay $0x3  }
0x92: {  	_ =	strace s17  }
0x93: {  	s2 =	sld [smem:$0x3FFC];
	_ =	sdelay $0x3  }
0x94: {  	_ =	strace s2  }
0x95: {  	s2 =	sld [smem:$0x3FFD];
	_ =	sdelay $0x3  }
0x96: {  	_ =	strace s2  }
0x97: {  	_ =	strace $0x8FFFFFFF  }
0x98: {  	s18 =	sld [smem:$0x3FDB];
	_ =	sdelay $0x1  }
0x99: {  	s19 =	simm.s32 $_scs_section_size  }
0x9a: {  	s4 =	simm.s32 $_size__tile_overlayer_lowered;
	s5 =	simm.s32 $_tile_overlayer_lowered  }
0x9b: {  	s22 =	simm.s32 $0x1BFF;
	s21 =	sshll.u32 s5, $0x1;
	s2 =	sadd.s32 s19, s18  }
0x9c: {  	s6 =	simm.s32 $0x0;
	s20 =	sshll.u32 s4, $0x1;
	s4 =	sadd.s32 s21, s2  }
0x9d: {  	[timem:s6], [sflag:s22] =	dma.local [hbm:s4], s20  }
0x9e: {  	_ =	swait.ge [sflag:s22], s20  }
0x9f: {  	s3 =	ssub.s32 $0x0, s20;
	[sflag:s22] =	ssyncset.done $0x0  }
0xa0: {  	[sflag:s22] =	ssyncadd.s32 s3;
	_ =	sdelay $0x1  }
0xa1: {  	s23 =	simm.s32 $0x1B8B  }
0xa2: {  	_ =	swait.ge [sflag:s23], $0x1  }
0xa3: {  	[sflag:s23] =	ssyncset.done $0x0  }
0xa4: {  	s25 =	simm.s32 $0x1B8E;
	s24 =	sld [smem:$0x3FFE];
	[sflag:s23] =	ssyncadd.s32 $0xFFFFFFFF  }
0xa5: {  	s26 =	simm.s32 $execute0_lowered;
	[smem:$0x3FD2] =	sst s25  }
0xa6: {  	s4 =	sshll.u32 s26, $0x1;
	_ =	strace $0x80000046;
	[dreg:$0x1] =	wrdreg $0xFFFFFFFF  }
0xa7: {  	s28 =	simm.s32 $_size_execute0_lowered;
	s2 =	sadd.s32 s2, s4;
	[dreg:$0x0] =	wrdreg $0x0  }
0xa8: {  	s4 =	sshll.u32 s28, $0x1;
	[dreg:$0x2] =	wrdreg s2  }
0xa9: {  	[dreg:$0x3] =	wrdreg s4  }
0xaa: {  	[dreg:$0x4] =	wrdreg $0xC0  }
0xab: {  	_ =	task [dreg:s6], $0x5FFFF  }
0xac: {  	[dreg:$0x1] =	wrdreg $0xFFFFFFFF  }
0xad: {  	[dreg:$0x0] =	wrdreg $0x60  }
0xae: {  	[dreg:$0x2] =	wrdreg s24  }
0xaf: {  	[dreg:$0x3] =	wrdreg $0x3C000  }
0xb0: {  	[dreg:$0x4] =	wrdreg $0x9  }
0xb1: {  	_ =	task.clear_ibuf [dreg:s6], $0x5FFFF;
	_ =	strace $0x90000046  }
0xb2: {  	s29 =	simm.s32 $0x9;
	_ =	strace $0x80000048  }
0xb3: {  	_ =	swait.ge [sflag:s29], $0x1  }
0xb4: {  	[sflag:s29] =	ssyncadd.s32 $0xFFFFFFFF  }
0xb5: {  	_ =	strace $0x90000048  }
0xb6: {  	_ =	sfence  }
0xb7: {  	s30 =	sld [smem:$0x0];
	_ =	sdelay $0x2  }
0xb8: {  	s31 =	sshll.u32 s1, $0xD;
	s1 =	sshrl.u32 s1, $0x2  }
0xb9: {  	s3 =	sand.u32 $0x4000, s31;
	s1 =	sadd.s32 s1, s30  }
0xba: {  	s0 =	sor.u32 s3, s0;
	s1 =	sshll.u32 s1, $0x11  }
0xbb: {  	s0 =	sor.u32 s1, s0  }
0xbc: {  	s0 =	sadd.s32 $0x8F2B, s0  }
0xbd: {  	[sflag:s0] =	ssyncadd.remote.s32 $0x1  }
0xbe: {  	_ =	sfence.sel $0xFFFF  }
0xbf: {  	[dreg:$0x0] =	wrdreg $0xFFFFFFFF;
	(pc) =	sbr.abs _section_cstart, $3  }
0xc0: {  	[dreg:$0x1] =	wrdreg $0xFFFFFFFF  }
0xc1: {  	_ =	task.clear_ibuf [dreg:s6], $0x2FFFF;
	_ =	strace $0x9FFFFFFF  }
0xc2: {  	(tm) =	ssettm $0x7FFFFFFF  }
0xc3: {  	_ =	shalt  }
tec
execute0_lowered:
.L_overlay_start_1:
0x0: {  	(tag) =	ssettag $0x1  }
0x1: {  	s0 =	srdreg.scid  }
0x2: {  	s6 =	stileid.u32;
	s3 =	rddreg [dreg:$0x0]  }
0x3: {  	s1 =	rddreg [dreg:$0x1];
	s2 =	simm.s32 $0x0;
	s9 =	simm.s32 $0x1400  }
0x4: {  	s10 =	simm.s32 $0x0;
	s4 =	sand.u32 $0x1, s0;
	s0 =	rddreg [dreg:$0x2]  }
0x5: {  	s31 =	sshll.u32 s6, $0x1;
	[smem:$0x7FF] =	sst s2;
	p0 =	sne.s32 s6, $0x0  }
0x6: {  	s5 =	sor.u32 s4, s31;
	s7 =	smul.u32 $0x4E2, s4;
	s4 =	ssub.s32 $0x2, s4  }
0x7: {  	s6 =	simm.s32 $0x1;
	s5 =	smul.u32 $0x280, s5;
	s8 =	sshrl.u32 s4, $0x1  }
0x8: {  	_ =	strace $0x80000047;
	s7 =	sadd.s32 s7, s3;
	s8 =	ssub.s32 s4, s8  }
0x9: {  	s5 =	sadd.s32 s5, s3;
	s4 =	sadd.s32 $0x7000, s7;
	s7 =	simm.s32 $0x1480  }
0xa: {  	v0 =	vimm.f32 $1.000000000e+00;
	v1 =	vimm.f32 $0.0e+00;
	s3 =	sadd.s32 $0x2000, s5;
	s5 =	smax.u32 s8, $0x1;
	s8 =	simm.s32 $0x7D  }
.LBB2_1:
0xb: {  	[tilespmem:s2], [sflag:$0x1] =	stream.linear.gather [hbm4b:s3+s2], $0x1400, $0x38;
	[tilespmem:$0x3E78] =	vst v63  }
0xc: {  	_ =	swait.ge [sflag:s6], $0x1400  }
0xd: {  	[sflag:s6] =	ssyncset.done $0x0  }
0xe: {  	[sflag:s6] =	ssyncadd.s32 $0xFFFFEC00  }
0xf: {  	[tilespmem:$0x1400] =	vst v0  }
0x10: {  	[tilespmem:$0x1410] =	vst v0  }
0x11: {  	[tilespmem:$0x1420] =	vst v0  }
.Ltmp0:
0x12: {  	[tilespmem:$0x1430] =	vst v0;
	(pc) =	sbr.rel @p0 .LBB2_5-.Ltmp0, $4  }
0x13: {  	[tilespmem:$0x1440] =	vst v0  }
0x14: {  	[tilespmem:$0x1450] =	vst v0  }
0x15: {  	[tilespmem:$0x1460] =	vst v0  }
0x16: {  	[tilespmem:$0x1470] =	vst v0  }
0x17: {  	s11 =	simm.s32 $0x40;
	s12 =	simm.s32 $0x0  }
.LBB2_3:
0x18: {  	p1 =	sne.s32 s11, $0x9C40;
	[tilespmem:s12+$0x1480] =	vst v1;
	s12 =	smov.u32 s11;
	s11 =	sadd.s32 $0x40, s11  }
.Ltmp1:
0x19: {  	(pc) =	sbr.rel @p1 .LBB2_3-.Ltmp1, $2  }
0x1a: {  	_ =	sdelay $0x2  }
0x1b: {  	s12 =	sshra.s32 s12, $0x2  }
0x1c: {  	[tilespmem:s12+$0x1480] =	vst v1  }
0x1d: {  	[spmem:s1] =	stream.linear.scatter [tilespmem:s7], [sflag:$0x1], $0x2780, $0x38;
	[tilespmem:$0x3E78] =	vst v63  }
0x1e: {  	_ =	swait.ge [sflag:s6], $0x2780  }
0x1f: {  	[sflag:s6] =	ssyncset.done $0x0  }
0x20: {  	[sflag:s6] =	ssyncadd.s32 $0xFFFFD880  }
.LBB2_5:
0x21: {  	[bflag:$0x0] =	sbarrier.arrive $0xFFFF;
	s11 =	simm.s32 $0x0  }
0x22: {  	[spmem:s1] =	stream.indirect.scatter.add.f32 [tilespmem:s9], [sflag:$0x1], $0x1, s11, s8, $0xb8;
	[tilespmem:$0x3E78] =	vst v63  }
0x23: {  	_ =	swait.ge [sflag:s6], $0x7D  }
0x24: {  	s11 =	simm.s32 $0x200;
	[sflag:s6] =	ssyncset.done $0x0  }
.LBB2_6:
0x25: {  	s12 =	sshra.s32 s11, $0x2;
	[sflag:s6] =	ssyncadd.s32 $0xFFFFFF83;
	p1 =	sne.s32 s11, $0x4E00  }
0x26: {  	[spmem:s1] =	stream.indirect.scatter.add.f32 [tilespmem:s9], [sflag:$0x1], $0x1, s12, s8, $0xb8;
	[tilespmem:$0x3E78] =	vst v63  }
.Ltmp2:
0x27: {  	_ = 	snop;
	(pc) =	sbr.rel @p1 .LBB2_6-.Ltmp2, $4  }
0x28: {  	_ = 	snop  }
0x29: {  	s11 =	sadd.s32 $0x200, s11  }
0x2a: {  	_ =	swait.ge [sflag:s6], $0x7D  }
0x2b: {  	[sflag:s6] =	ssyncset.done $0x0  }
0x2c: {  	[sflag:s6] =	ssyncadd.s32 $0xFFFFFF83  }
0x2d: {  	s11 =	simm.s32 @!p0 $0x1480;
	s12 =	simm.s32 @!p0 $0x1;
	[bflag:$0x0] =	sbarrier.arrive $0xFFFF  }
0x2e: {  	[tilespmem:s11], [sflag:$0x1] =	stream.linear.gather @!p0 [spmem:s1], $0x2780, $0x38;
	[tilespmem:$0x3E78] =	vst v63  }
0x2f: {  	s10 =	sadd.s32 $0x1, s10;
	_ =	swait.ge @!p0 [sflag:s12], $0x2780  }
0x30: {  	p1 =	sne.s32 s10, s5;
	[sflag:s12] =	ssyncset.done @!p0 $0x0  }
.Ltmp3:
0x31: {  	s13 =	simm.s32 @!p0 $0x0;
	[sflag:s12] =	ssyncadd.s32 @!p0 $0xFFFFD880;
	(pc) =	sbr.rel @p1 .LBB2_1-.Ltmp3, $4  }
0x32: {  	[hbm4b:s4+s13] =	stream.linear.scatter @!p0 [tilespmem:s11], [sflag:$0x1], $0x2710, $0x38;
	[tilespmem:$0x3E78] =	vst v63  }
0x33: {  	_ =	swait.ge @!p0 [sflag:s12], $0x2710  }
0x34: {  	[sflag:s12] =	ssyncset.done @!p0 $0x0  }
0x35: {  	[sflag:s12] =	ssyncadd.s32 @!p0 $0xFFFFD8F0  }
0x36: {  	_ =	sfence.sel $0x180000  }
0x37: {  	[bflag:$0x0] =	sbarrier.arrive $0xFFFF  }
0x38: {  	_ =	strace $0x90000047  }
0x39: {  	s0 =	sadd.s32 @!p0 $0x100000, s0;
	[bflag:$0x2] =	sbarrier.arrive $0xFFFF  }
0x3a: {  	[sflag:s0] =	ssyncadd.tile.s32 @!p0 $0x1;
	_ =	shalt  }
.Lfunc_end2:
_tile_overlayer_lowered:
.L_overlay_start_2:
0x3b: {  	(tag) =	ssettag $0x2  }
0x3c: {  	s0 =	rddreg [dreg:$0x0];
	s2 =	stileid.u32  }
0x3d: {  	s1 =	rddreg [dreg:$0x1];
	p0 =	sne.s32 s2, $0x0  }
0x3e: {  	s3 =	rddreg [dreg:$0x2];
	[bflag:$0x3] =	sbarrier.arrive $0xFFFF;
	s2 =	simm.s32 @!p0 $0x1C01  }
0x3f: {  	[timem:s3], [sflag:s2] =	dma.local @!p0 [hbm:s0], s1  }
0x40: {  	s0 =	simm.s32 @!p0 $0x1  }
0x41: {  	_ =	swait.ge @!p0 [sflag:s0], s1  }
0x42: {  	s1 =	ssub.s32 @!p0 $0x0, s1;
	[sflag:s0] =	ssyncset.done @!p0 $0x0  }
0x43: {  	[sflag:s0] =	ssyncadd.s32 @!p0 s1  }
0x44: {  	[bflag:$0x3] =	sbarrier.arrive $0xFFFF  }
0x45: {  	_ =	shalt  }

</sc_bundles>
